<compile_context>
chip_gen: v7x
topology: tpu7x:2x2x1
jax: 0.10.2.dev20260603
libtpu: 0.0.44.dev20260713+nightly
codegen_flags: <defaults>
</compile_context>

<pallas_src>
import jax
import jax.numpy as jnp
from jax import lax
from jax.experimental import pallas as pl
from jax.experimental.pallas import tpu as pltpu, tpu_sc as plsc

N_ROWS = 320000
D = 128
N_NODES = 10000
SCALE = 1.0 / (32.0 ** 0.5)

NC = 2
NS = 16
L = 16

COLS = D // NC
CHUNK = 256
SUB = 128
NSUB = CHUNK // SUB
N_CHUNKS = N_ROWS // CHUNK
CHUNKS_PER_TILE = N_CHUNKS // NS
OUT_ROWS_PER_TILE = N_NODES // NS
IDX_BLKS = N_ROWS // SUB


def _body(x_hbm, idx_hbm, out_hbm, xbuf, ibuf, obuf, acc, sem0, sem1):
    c = lax.axis_index("c")
    s = lax.axis_index("s")
    col0 = c * COLS
    row0 = s * OUT_ROWS_PER_TILE
    sems = (sem0, sem1)

    def issue_load(g, b):
        pltpu.async_copy(
            x_hbm.at[pl.ds(g * CHUNK, CHUNK), pl.ds(col0, COLS)],
            xbuf.at[b], sems[b])
        pltpu.async_copy(
            idx_hbm.at[pl.ds(g * NSUB, NSUB), :], ibuf.at[b], sems[b])

    def wait_load(b):
        pltpu.make_async_copy(
            x_hbm.at[pl.ds(0, CHUNK), pl.ds(0, COLS)], xbuf.at[b], sems[b]
        ).wait()
        pltpu.make_async_copy(
            idx_hbm.at[pl.ds(0, NSUB), :], ibuf.at[b], sems[b]
        ).wait()

    def scatter(b):
        for j in range(NSUB):
            pltpu.sync_copy(
                xbuf.at[b, pl.ds(j * SUB, SUB), :],
                acc.at[ibuf.at[b, j]],
                add=True,
            )

    z = jnp.zeros((L,), jnp.float32)

    def zero_row(r, carry):
        for jj in range(COLS // L):
            obuf[r, pl.ds(jj * L, L)] = z
        return carry

    lax.fori_loop(0, OUT_ROWS_PER_TILE, zero_row, 0)
    pltpu.sync_copy(obuf, acc.at[pl.ds(row0, OUT_ROWS_PER_TILE), :])
    plsc.subcore_barrier()

    base = s * CHUNKS_PER_TILE
    issue_load(base, 0)
    issue_load(base + 1, 1)

    @pl.loop(0, CHUNKS_PER_TILE, step=2)
    def _(k):
        for b in range(2):
            kk = k + b
            wait_load(b)
            scatter(b)

            @pl.when(kk + 2 < CHUNKS_PER_TILE)
            def _():
                issue_load(base + kk + 2, b)

    @pl.when(s >= NS - 2)
    def _():
        issue_load(N_CHUNKS - NS + s, 0)
        wait_load(0)
        scatter(0)

    plsc.subcore_barrier()

    pltpu.sync_copy(acc.at[pl.ds(row0, OUT_ROWS_PER_TILE), :], obuf)

    def scale_row(r, carry):
        for jj in range(COLS // L):
            v = obuf[r, pl.ds(jj * L, L)]
            obuf[r, pl.ds(jj * L, L)] = v * SCALE
        return carry

    lax.fori_loop(0, OUT_ROWS_PER_TILE, scale_row, 0)
    pltpu.sync_copy(
        obuf, out_hbm.at[pl.ds(row0, OUT_ROWS_PER_TILE), pl.ds(col0, COLS)]
    )


@jax.jit
def _scatter_scaled(x, idx2d):
    mesh = plsc.VectorSubcoreMesh(
        core_axis_name="c", subcore_axis_name="s", num_cores=NC, num_subcores=NS
    )
    return pl.kernel(
        _body,
        out_type=jax.ShapeDtypeStruct((N_NODES, D), jnp.float32),
        mesh=mesh,
        compiler_params=pltpu.CompilerParams(use_tc_tiling_on_sc=False),
        scratch_types=[
            pltpu.VMEM((2, CHUNK, COLS), jnp.float32),
            pltpu.VMEM((2, NSUB, SUB), jnp.int32),
            pltpu.VMEM((OUT_ROWS_PER_TILE, COLS), jnp.float32),
            pltpu.VMEM_SHARED((N_NODES, COLS), jnp.float32),
            pltpu.SemaphoreType.DMA,
            pltpu.SemaphoreType.DMA,
        ],
    )(x, idx2d)


def kernel(x, index):
    idx2d = index.astype(jnp.int32).reshape(IDX_BLKS, SUB)
    return _scatter_scaled(x, idx2d)

# --- scband reference (transcript-rebuilt; emitter-appended) ---
"""Pipeline reference for scband-scaled-scatter-29927332118759 (READ-ONLY COPY).

The authoritative reference and input builder live on the scoring server;
editing this copy changes nothing except your own understanding.
"""

import jax, jax.numpy as jnp
import numpy as np

N_NODES = 10000
AGGREGATE_NUM = 32.0

def setup_inputs(seed: int = 0) -> dict:
    key = jax.random.key(seed)
    k1, k2 = jax.random.split(key)
    x = jax.random.normal(k1, (320000, 128), dtype=jnp.float32)
    index = jax.random.randint(k2, (320000,), 0, N_NODES, dtype=jnp.int64)
    return {"x": x, "index": index}

def reference(x, index):
    # scatter-sum of x rows into N_NODES buckets along dim 0 (torch_scatter.scatter default reduce='sum'),
    # then divide by sqrt(aggregate_num)
    out = jax.ops.segment_sum(x, index, num_segments=N_NODES)
    out = out / (AGGREGATE_NUM ** 0.5)
    return out

if __name__ == "__main__":
    import jax
    _d = setup_inputs()
    print(jax.jit(kernel)(*tuple(_d.values())))

</pallas_src>

<mosaic_0001>
#map = affine_map<(d0, d1) -> (0, 0)>
module attributes {stable_mosaic.version = 14 : i64} {
  func.func @_body(%arg0: i32, %arg1: i32, %arg2: memref<320000x128xf32, #tpu.memory_space<hbm>>, %arg3: memref<2500x128xi32, #tpu.memory_space<hbm>>, %arg4: memref<10000x128xf32, #tpu.memory_space<hbm>>, %arg5: memref<2x256x64xf32, #tpu.memory_space<vmem>>, %arg6: memref<2x2x128xi32, #tpu.memory_space<vmem>>, %arg7: memref<625x64xf32, #tpu.memory_space<vmem>>, %arg8: memref<10000x64xf32, #tpu.memory_space<vmem_shared>>, %arg9: memref<!tpu.dma_semaphore, #tpu.memory_space<semaphore_mem>>, %arg10: memref<!tpu.dma_semaphore, #tpu.memory_space<semaphore_mem>>) attributes {dimension_semantics = [#tpu.dimension_semantics<core_parallel>, #tpu.dimension_semantics<subcore_parallel>], iteration_bounds = array<i64: 2, 16>, scalar_prefetch = 0 : i64, scratch_operands = 6 : i64, tpu.core_type = #tpu.core_type<sc_vector_subcore>, window_params = [{transform_indices = #map}, {transform_indices = #map}, {transform_indices = #map}]} {
    %mul3A = arith.constant 64 : i32
    %mul3A_0 = arith.muli %arg0, %mul3A : i32
    %mul3A_1 = arith.constant 625 : i32
    %mul3A_2 = arith.muli %arg1, %mul3A_1 : i32
    %broadcast_in_dim3A = arith.constant 0.000000e+00 : f32
    %broadcast_in_dim3A_3 = vector.broadcast %broadcast_in_dim3A : f32 to vector<16xf32>
    %scan3A = arith.constant 0 : i32
    %scan3A_4 = arith.constant 0 : i32
    %scan3A_5 = arith.constant 625 : i32
    %scan3A_6 = arith.addi %scan3A_4, %scan3A_5 : i32
    %scan3A_7 = arith.constant 1 : i32
    scf.for %scan3A_81 = %scan3A_4 to %scan3A_6 step %scan3A_7  : i32 {
      %swap3A = arith.index_cast %scan3A_81 : i32 to index
      %swap3A_82 = arith.constant 0 : index
      %swap3A_83 = tpu.vector_load %arg7[%swap3A, %swap3A_82] {strides = array<i32>} : memref<625x64xf32, #tpu.memory_space<vmem>>, vector<1x16xf32>,
      %swap3A_84 = vector.shape_cast %swap3A_83 : vector<1x16xf32> to vector<16xf32>
      %swap3A_85 = vector.shape_cast %broadcast_in_dim3A_3 : vector<16xf32> to vector<1x16xf32>
      tpu.vector_store %arg7[%swap3A, %swap3A_82], %swap3A_85 {strides = array<i32>} : memref<625x64xf32, #tpu.memory_space<vmem>>, vector<1x16xf32>,
      %swap3A_86 = arith.index_cast %scan3A_81 : i32 to index
      %swap3A_87 = arith.constant 16 : index
      %swap3A_88 = tpu.vector_load %arg7[%swap3A_86, %swap3A_87] {strides = array<i32>} : memref<625x64xf32, #tpu.memory_space<vmem>>, vector<1x16xf32>,
      %swap3A_89 = vector.shape_cast %swap3A_88 : vector<1x16xf32> to vector<16xf32>
      %swap3A_90 = vector.shape_cast %broadcast_in_dim3A_3 : vector<16xf32> to vector<1x16xf32>
      tpu.vector_store %arg7[%swap3A_86, %swap3A_87], %swap3A_90 {strides = array<i32>} : memref<625x64xf32, #tpu.memory_space<vmem>>, vector<1x16xf32>,
      %swap3A_91 = arith.index_cast %scan3A_81 : i32 to index
      %swap3A_92 = arith.constant 32 : index
      %swap3A_93 = tpu.vector_load %arg7[%swap3A_91, %swap3A_92] {strides = array<i32>} : memref<625x64xf32, #tpu.memory_space<vmem>>, vector<1x16xf32>,
      %swap3A_94 = vector.shape_cast %swap3A_93 : vector<1x16xf32> to vector<16xf32>
      %swap3A_95 = vector.shape_cast %broadcast_in_dim3A_3 : vector<16xf32> to vector<1x16xf32>
      tpu.vector_store %arg7[%swap3A_91, %swap3A_92], %swap3A_95 {strides = array<i32>} : memref<625x64xf32, #tpu.memory_space<vmem>>, vector<1x16xf32>,
      %swap3A_96 = arith.index_cast %scan3A_81 : i32 to index
      %swap3A_97 = arith.constant 48 : index
      %swap3A_98 = tpu.vector_load %arg7[%swap3A_96, %swap3A_97] {strides = array<i32>} : memref<625x64xf32, #tpu.memory_space<vmem>>, vector<1x16xf32>,
      %swap3A_99 = vector.shape_cast %swap3A_98 : vector<1x16xf32> to vector<16xf32>
      %swap3A_100 = vector.shape_cast %broadcast_in_dim3A_3 : vector<16xf32> to vector<1x16xf32>
      tpu.vector_store %arg7[%swap3A_96, %swap3A_97], %swap3A_100 {strides = array<i32>} : memref<625x64xf32, #tpu.memory_space<vmem>>, vector<1x16xf32>,
    }
    %scan3A_8 = arith.constant 625 : i32
    "tpu.region"() ({
      %run_scoped3A = tpu.sem_alloc : memref<!tpu.dma_semaphore, #tpu.memory_space<semaphore_mem>>
      %dma_start3A_81 = arith.constant 0 : i32
      %dma_start3A_82 = tpu.memref_slice %arg8[%mul3A_2, %dma_start3A_81] : memref<10000x64xf32, #tpu.memory_space<vmem_shared>> -> memref<625x64xf32, #tpu.memory_space<vmem_shared>>
      %dma_start3A_83 = arith.constant 0 : i32
      %dma_start3A_84 = tpu.memref_slice %arg8[%mul3A_2, %dma_start3A_83] : memref<10000x64xf32, #tpu.memory_space<vmem_shared>> -> memref<625x64xf32, #tpu.memory_space<vmem_shared>>
      tpu.enqueue_dma source(%arg7 : memref<625x64xf32, #tpu.memory_space<vmem>>) target(%dma_start3A_84 : memref<625x64xf32, #tpu.memory_space<vmem_shared>>) target_semaphore(%run_scoped3A : memref<!tpu.dma_semaphore, #tpu.memory_space<semaphore_mem>>)
      %dma_wait3A = arith.constant 0 : i32
      %dma_wait3A_85 = tpu.memref_slice %arg8[%mul3A_2, %dma_wait3A] : memref<10000x64xf32, #tpu.memory_space<vmem_shared>> -> memref<625x64xf32, #tpu.memory_space<vmem_shared>>
      %dma_wait3A_86 = arith.constant 0 : i32
      %dma_wait3A_87 = tpu.memref_slice %arg8[%mul3A_2, %dma_wait3A_86] : memref<10000x64xf32, #tpu.memory_space<vmem_shared>> -> memref<625x64xf32, #tpu.memory_space<vmem_shared>>
      tpu.wait_dma2 semaphore(%run_scoped3A : memref<!tpu.dma_semaphore, #tpu.memory_space<semaphore_mem>>) src(%arg7 : memref<625x64xf32, #tpu.memory_space<vmem>>) dst(%dma_wait3A_87 : memref<625x64xf32, #tpu.memory_space<vmem_shared>>)
      tpu.yield
    }) : () -> ()
    %barrier3A = arith.constant 0 : index
    tpu.barrier barrier_id(%barrier3A)
    %mul3A_9 = arith.constant 78 : i32
    %mul3A_10 = arith.muli %arg1, %mul3A_9 : i32
    %mul3A_11 = arith.constant 256 : i32
    %mul3A_12 = arith.muli %mul3A_10, %mul3A_11 : i32
    %dma_start3A = arith.constant 0 : i32
    %dma_start3A_13 = arith.constant 0 : i32
    %dma_start3A_14 = arith.constant 0 : i32
    %dma_start3A_15 = tpu.memref_slice %arg5[%dma_start3A, %dma_start3A_13, %dma_start3A_14] : memref<2x256x64xf32, #tpu.memory_space<vmem>> -> memref<1x256x64xf32, #tpu.memory_space<vmem>>
    %dma_start3A_16 = tpu.memref_squeeze %dma_start3A_15 : memref<1x256x64xf32, #tpu.memory_space<vmem>> -> memref<256x64xf32, #tpu.memory_space<vmem>>
    %dma_start3A_17 = tpu.memref_slice %arg2[%mul3A_12, %mul3A_0] : memref<320000x128xf32, #tpu.memory_space<hbm>> -> memref<256x64xf32, #tpu.memory_space<hbm>>
    %dma_start3A_18 = arith.constant 0 : i32
    %dma_start3A_19 = arith.constant 0 : i32
    %dma_start3A_20 = tpu.memref_slice %arg5[%dma_start3A, %dma_start3A_18, %dma_start3A_19] : memref<2x256x64xf32, #tpu.memory_space<vmem>> -> memref<1x256x64xf32, #tpu.memory_space<vmem>>
    %dma_start3A_21 = tpu.memref_squeeze %dma_start3A_20 : memref<1x256x64xf32, #tpu.memory_space<vmem>> -> memref<256x64xf32, #tpu.memory_space<vmem>>
    %dma_start3A_22 = tpu.memref_slice %arg2[%mul3A_12, %mul3A_0] : memref<320000x128xf32, #tpu.memory_space<hbm>> -> memref<256x64xf32, #tpu.memory_space<hbm>>
    tpu.enqueue_dma source(%dma_start3A_22 : memref<256x64xf32, #tpu.memory_space<hbm>>) target(%dma_start3A_21 : memref<256x64xf32, #tpu.memory_space<vmem>>) target_semaphore(%arg9 : memref<!tpu.dma_semaphore, #tpu.memory_space<semaphore_mem>>)
    %mul3A_23 = arith.constant 2 : i32
    %mul3A_24 = arith.muli %mul3A_10, %mul3A_23 : i32
    %dma_start3A_25 = arith.constant 0 : i32
    %dma_start3A_26 = arith.constant 0 : i32
    %dma_start3A_27 = arith.constant 0 : i32
    %dma_start3A_28 = tpu.memref_slice %arg6[%dma_start3A_25, %dma_start3A_26, %dma_start3A_27] : memref<2x2x128xi32, #tpu.memory_space<vmem>> -> memref<1x2x128xi32, #tpu.memory_space<vmem>>
    %dma_start3A_29 = tpu.memref_squeeze %dma_start3A_28 : memref<1x2x128xi32, #tpu.memory_space<vmem>> -> memref<2x128xi32, #tpu.memory_space<vmem>>
    %dma_start3A_30 = arith.constant 0 : i32
    %dma_start3A_31 = tpu.memref_slice %arg3[%mul3A_24, %dma_start3A_30] : memref<2500x128xi32, #tpu.memory_space<hbm>> -> memref<2x128xi32, #tpu.memory_space<hbm>>
    %dma_start3A_32 = arith.constant 0 : i32
    %dma_start3A_33 = arith.constant 0 : i32
    %dma_start3A_34 = tpu.memref_slice %arg6[%dma_start3A_25, %dma_start3A_32, %dma_start3A_33] : memref<2x2x128xi32, #tpu.memory_space<vmem>> -> memref<1x2x128xi32, #tpu.memory_space<vmem>>
    %dma_start3A_35 = tpu.memref_squeeze %dma_start3A_34 : memref<1x2x128xi32, #tpu.memory_space<vmem>> -> memref<2x128xi32, #tpu.memory_space<vmem>>
    %dma_start3A_36 = arith.constant 0 : i32
    %dma_start3A_37 = tpu.memref_slice %arg3[%mul3A_24, %dma_start3A_36] : memref<2500x128xi32, #tpu.memory_space<hbm>> -> memref<2x128xi32, #tpu.memory_space<hbm>>
    tpu.enqueue_dma source(%dma_start3A_37 : memref<2x128xi32, #tpu.memory_space<hbm>>) target(%dma_start3A_35 : memref<2x128xi32, #tpu.memory_space<vmem>>) target_semaphore(%arg9 : memref<!tpu.dma_semaphore, #tpu.memory_space<semaphore_mem>>)
    %add3A = arith.constant 1 : i32
    %add3A_38 = arith.addi %mul3A_10, %add3A : i32
    %mul3A_39 = arith.constant 256 : i32
    %mul3A_40 = arith.muli %add3A_38, %mul3A_39 : i32
    %dma_start3A_41 = arith.constant 1 : i32
    %dma_start3A_42 = arith.constant 0 : i32
    %dma_start3A_43 = arith.constant 0 : i32
    %dma_start3A_44 = tpu.memref_slice %arg5[%dma_start3A_41, %dma_start3A_42, %dma_start3A_43] : memref<2x256x64xf32, #tpu.memory_space<vmem>> -> memref<1x256x64xf32, #tpu.memory_space<vmem>>
    %dma_start3A_45 = tpu.memref_squeeze %dma_start3A_44 : memref<1x256x64xf32, #tpu.memory_space<vmem>> -> memref<256x64xf32, #tpu.memory_space<vmem>>
    %dma_start3A_46 = tpu.memref_slice %arg2[%mul3A_40, %mul3A_0] : memref<320000x128xf32, #tpu.memory_space<hbm>> -> memref<256x64xf32, #tpu.memory_space<hbm>>
    %dma_start3A_47 = arith.constant 0 : i32
    %dma_start3A_48 = arith.constant 0 : i32
    %dma_start3A_49 = tpu.memref_slice %arg5[%dma_start3A_41, %dma_start3A_47, %dma_start3A_48] : memref<2x256x64xf32, #tpu.memory_space<vmem>> -> memref<1x256x64xf32, #tpu.memory_space<vmem>>
    %dma_start3A_50 = tpu.memref_squeeze %dma_start3A_49 : memref<1x256x64xf32, #tpu.memory_space<vmem>> -> memref<256x64xf32, #tpu.memory_space<vmem>>
    %dma_start3A_51 = tpu.memref_slice %arg2[%mul3A_40, %mul3A_0] : memref<320000x128xf32, #tpu.memory_space<hbm>> -> memref<256x64xf32, #tpu.memory_space<hbm>>
    tpu.enqueue_dma source(%dma_start3A_51 : memref<256x64xf32, #tpu.memory_space<hbm>>) target(%dma_start3A_50 : memref<256x64xf32, #tpu.memory_space<vmem>>) target_semaphore(%arg10 : memref<!tpu.dma_semaphore, #tpu.memory_space<semaphore_mem>>)
    %mul3A_52 = arith.constant 2 : i32
    %mul3A_53 = arith.muli %add3A_38, %mul3A_52 : i32
    %dma_start3A_54 = arith.constant 1 : i32
    %dma_start3A_55 = arith.constant 0 : i32
    %dma_start3A_56 = arith.constant 0 : i32
    %dma_start3A_57 = tpu.memref_slice %arg6[%dma_start3A_54, %dma_start3A_55, %dma_start3A_56] : memref<2x2x128xi32, #tpu.memory_space<vmem>> -> memref<1x2x128xi32, #tpu.memory_space<vmem>>
    %dma_start3A_58 = tpu.memref_squeeze %dma_start3A_57 : memref<1x2x128xi32, #tpu.memory_space<vmem>> -> memref<2x128xi32, #tpu.memory_space<vmem>>
    %dma_start3A_59 = arith.constant 0 : i32
    %dma_start3A_60 = tpu.memref_slice %arg3[%mul3A_53, %dma_start3A_59] : memref<2500x128xi32, #tpu.memory_space<hbm>> -> memref<2x128xi32, #tpu.memory_space<hbm>>
    %dma_start3A_61 = arith.constant 0 : i32
    %dma_start3A_62 = arith.constant 0 : i32
    %dma_start3A_63 = tpu.memref_slice %arg6[%dma_start3A_54, %dma_start3A_61, %dma_start3A_62] : memref<2x2x128xi32, #tpu.memory_space<vmem>> -> memref<1x2x128xi32, #tpu.memory_space<vmem>>
    %dma_start3A_64 = tpu.memref_squeeze %dma_start3A_63 : memref<1x2x128xi32, #tpu.memory_space<vmem>> -> memref<2x128xi32, #tpu.memory_space<vmem>>
    %dma_start3A_65 = arith.constant 0 : i32
    %dma_start3A_66 = tpu.memref_slice %arg3[%mul3A_53, %dma_start3A_65] : memref<2500x128xi32, #tpu.memory_space<hbm>> -> memref<2x128xi32, #tpu.memory_space<hbm>>
    tpu.enqueue_dma source(%dma_start3A_66 : memref<2x128xi32, #tpu.memory_space<hbm>>) target(%dma_start3A_64 : memref<2x128xi32, #tpu.memory_space<vmem>>) target_semaphore(%arg10 : memref<!tpu.dma_semaphore, #tpu.memory_space<semaphore_mem>>)
    %scan3A_67 = arith.constant 0 : i32
    %scan3A_68 = arith.constant 39 : i32
    %scan3A_69 = arith.addi %scan3A_67, %scan3A_68 : i32
    %scan3A_70 = arith.constant 1 : i32
    scf.for %scan3A_81 = %scan3A_67 to %scan3A_69 step %scan3A_70  : i32 {
      %mul3A_82 = arith.constant 2 : i32
      %mul3A_83 = arith.muli %scan3A_81, %mul3A_82 : i32
      %add3A_84 = arith.constant 0 : i32
      %add3A_85 = arith.addi %add3A_84, %mul3A_83 : i32
      %add3A_86 = arith.constant 0 : i32
      %add3A_87 = arith.addi %add3A_85, %add3A_86 : i32
      %dma_wait3A = arith.constant 0 : i32
      %dma_wait3A_88 = arith.constant 0 : i32
      %dma_wait3A_89 = arith.constant 0 : i32
      %dma_wait3A_90 = tpu.memref_slice %arg5[%dma_wait3A, %dma_wait3A_88, %dma_wait3A_89] : memref<2x256x64xf32, #tpu.memory_space<vmem>> -> memref<1x256x64xf32, #tpu.memory_space<vmem>>
      %dma_wait3A_91 = tpu.memref_squeeze %dma_wait3A_90 : memref<1x256x64xf32, #tpu.memory_space<vmem>> -> memref<256x64xf32, #tpu.memory_space<vmem>>
      %dma_wait3A_92 = arith.constant 0 : i32
      %dma_wait3A_93 = arith.constant 0 : i32
      %dma_wait3A_94 = tpu.memref_slice %arg2[%dma_wait3A_92, %dma_wait3A_93] : memref<320000x128xf32, #tpu.memory_space<hbm>> -> memref<256x64xf32, #tpu.memory_space<hbm>>
      %dma_wait3A_95 = arith.constant 0 : i32
      %dma_wait3A_96 = arith.constant 0 : i32
      %dma_wait3A_97 = tpu.memref_slice %arg5[%dma_wait3A, %dma_wait3A_95, %dma_wait3A_96] : memref<2x256x64xf32, #tpu.memory_space<vmem>> -> memref<1x256x64xf32, #tpu.memory_space<vmem>>
      %dma_wait3A_98 = tpu.memref_squeeze %dma_wait3A_97 : memref<1x256x64xf32, #tpu.memory_space<vmem>> -> memref<256x64xf32, #tpu.memory_space<vmem>>
      %dma_wait3A_99 = arith.constant 0 : i32
      %dma_wait3A_100 = arith.constant 0 : i32
      %dma_wait3A_101 = tpu.memref_slice %arg2[%dma_wait3A_99, %dma_wait3A_100] : memref<320000x128xf32, #tpu.memory_space<hbm>> -> memref<256x64xf32, #tpu.memory_space<hbm>>
      tpu.wait_dma2 semaphore(%arg9 : memref<!tpu.dma_semaphore, #tpu.memory_space<semaphore_mem>>) src(%dma_wait3A_101 : memref<256x64xf32, #tpu.memory_space<hbm>>) dst(%dma_wait3A_98 : memref<256x64xf32, #tpu.memory_space<vmem>>)
      %dma_wait3A_102 = arith.constant 0 : i32
      %dma_wait3A_103 = arith.constant 0 : i32
      %dma_wait3A_104 = arith.constant 0 : i32
      %dma_wait3A_105 = tpu.memref_slice %arg6[%dma_wait3A_102, %dma_wait3A_103, %dma_wait3A_104] : memref<2x2x128xi32, #tpu.memory_space<vmem>> -> memref<1x2x128xi32, #tpu.memory_space<vmem>>
      %dma_wait3A_106 = tpu.memref_squeeze %dma_wait3A_105 : memref<1x2x128xi32, #tpu.memory_space<vmem>> -> memref<2x128xi32, #tpu.memory_space<vmem>>
      %dma_wait3A_107 = arith.constant 0 : i32
      %dma_wait3A_108 = arith.constant 0 : i32
      %dma_wait3A_109 = tpu.memref_slice %arg3[%dma_wait3A_107, %dma_wait3A_108] : memref<2500x128xi32, #tpu.memory_space<hbm>> -> memref<2x128xi32, #tpu.memory_space<hbm>>
      %dma_wait3A_110 = arith.constant 0 : i32
      %dma_wait3A_111 = arith.constant 0 : i32
      %dma_wait3A_112 = tpu.memref_slice %arg6[%dma_wait3A_102, %dma_wait3A_110, %dma_wait3A_111] : memref<2x2x128xi32, #tpu.memory_space<vmem>> -> memref<1x2x128xi32, #tpu.memory_space<vmem>>
      %dma_wait3A_113 = tpu.memref_squeeze %dma_wait3A_112 : memref<1x2x128xi32, #tpu.memory_space<vmem>> -> memref<2x128xi32, #tpu.memory_space<vmem>>
      %dma_wait3A_114 = arith.constant 0 : i32
      %dma_wait3A_115 = arith.constant 0 : i32
      %dma_wait3A_116 = tpu.memref_slice %arg3[%dma_wait3A_114, %dma_wait3A_115] : memref<2500x128xi32, #tpu.memory_space<hbm>> -> memref<2x128xi32, #tpu.memory_space<hbm>>
      tpu.wait_dma2 semaphore(%arg9 : memref<!tpu.dma_semaphore, #tpu.memory_space<semaphore_mem>>) src(%dma_wait3A_116 : memref<2x128xi32, #tpu.memory_space<hbm>>) dst(%dma_wait3A_113 : memref<2x128xi32, #tpu.memory_space<vmem>>)
      %run_scoped3A = arith.constant 0 : i32
      %run_scoped3A_117 = arith.constant 0 : i32
      %run_scoped3A_118 = arith.constant 0 : i32
      "tpu.region"() ({
        %run_scoped3A_173 = tpu.sem_alloc : memref<!tpu.dma_semaphore, #tpu.memory_space<semaphore_mem>>
        %dma_start3A_174 = arith.constant 0 : i32
        %dma_start3A_175 = arith.constant 0 : i32
        %dma_start3A_176 = tpu.memref_slice %arg5[%run_scoped3A, %dma_start3A_174, %dma_start3A_175] : memref<2x256x64xf32, #tpu.memory_space<vmem>> -> memref<1x128x64xf32, #tpu.memory_space<vmem>>
        %dma_start3A_177 = tpu.memref_squeeze %dma_start3A_176 : memref<1x128x64xf32, #tpu.memory_space<vmem>> -> memref<128x64xf32, #tpu.memory_space<vmem>>
        %dma_start3A_178 = arith.constant 0 : i32
        %dma_start3A_179 = tpu.memref_slice %arg6[%run_scoped3A_117, %run_scoped3A_118, %dma_start3A_178] : memref<2x2x128xi32, #tpu.memory_space<vmem>> -> memref<1x1x128xi32, #tpu.memory_space<vmem>>
        %dma_start3A_180 = tpu.memref_squeeze %dma_start3A_179 : memref<1x1x128xi32, #tpu.memory_space<vmem>> -> memref<128xi32, #tpu.memory_space<vmem>>
        %dma_start3A_181 = arith.constant 0 : i32
        %dma_start3A_182 = arith.constant 0 : i32
        %dma_start3A_183 = tpu.memref_slice %arg8[%dma_start3A_181, %dma_start3A_182] : memref<10000x64xf32, #tpu.memory_space<vmem_shared>> -> memref<10000x64xf32, #tpu.memory_space<vmem_shared>>
        tpu.enqueue_indirect_dma source(%dma_start3A_177 : memref<128x64xf32, #tpu.memory_space<vmem>>) target(%dma_start3A_183 : memref<10000x64xf32, #tpu.memory_space<vmem_shared>>) offsets(%dma_start3A_180 : memref<128xi32, #tpu.memory_space<vmem>>) semaphore(%run_scoped3A_173 : memref<!tpu.dma_semaphore, #tpu.memory_space<semaphore_mem>>) {add = true}
        %dma_wait3A_184 = arith.constant 0 : i32
        %dma_wait3A_185 = arith.constant 0 : i32
        %dma_wait3A_186 = tpu.memref_slice %arg5[%run_scoped3A, %dma_wait3A_184, %dma_wait3A_185] : memref<2x256x64xf32, #tpu.memory_space<vmem>> -> memref<1x128x64xf32, #tpu.memory_space<vmem>>
        %dma_wait3A_187 = tpu.memref_squeeze %dma_wait3A_186 : memref<1x128x64xf32, #tpu.memory_space<vmem>> -> memref<128x64xf32, #tpu.memory_space<vmem>>
        %dma_wait3A_188 = arith.constant 0 : i32
        %dma_wait3A_189 = tpu.memref_slice %arg6[%run_scoped3A_117, %run_scoped3A_118, %dma_wait3A_188] : memref<2x2x128xi32, #tpu.memory_space<vmem>> -> memref<1x1x128xi32, #tpu.memory_space<vmem>>
        %dma_wait3A_190 = tpu.memref_squeeze %dma_wait3A_189 : memref<1x1x128xi32, #tpu.memory_space<vmem>> -> memref<128xi32, #tpu.memory_space<vmem>>
        %dma_wait3A_191 = arith.constant 0 : i32
        %dma_wait3A_192 = arith.constant 0 : i32
        %dma_wait3A_193 = tpu.memref_slice %arg8[%dma_wait3A_191, %dma_wait3A_192] : memref<10000x64xf32, #tpu.memory_space<vmem_shared>> -> memref<10000x64xf32, #tpu.memory_space<vmem_shared>>
        tpu.wait_indirect_dma semaphore(%run_scoped3A_173 : memref<!tpu.dma_semaphore, #tpu.memory_space<semaphore_mem>>) src(%dma_wait3A_187 : memref<128x64xf32, #tpu.memory_space<vmem>>) dst(%dma_wait3A_193 : memref<10000x64xf32, #tpu.memory_space<vmem_shared>>)
        tpu.yield
      }) : () -> ()
      %run_scoped3A_119 = arith.constant 0 : i32
      %run_scoped3A_120 = arith.constant 0 : i32
      %run_scoped3A_121 = arith.constant 1 : i32
      "tpu.region"() ({
        %run_scoped3A_173 = tpu.sem_alloc : memref<!tpu.dma_semaphore, #tpu.memory_space<semaphore_mem>>
        %dma_start3A_174 = arith.constant 128 : i32
        %dma_start3A_175 = arith.constant 0 : i32
        %dma_start3A_176 = tpu.memref_slice %arg5[%run_scoped3A_119, %dma_start3A_174, %dma_start3A_175] : memref<2x256x64xf32, #tpu.memory_space<vmem>> -> memref<1x128x64xf32, #tpu.memory_space<vmem>>
        %dma_start3A_177 = tpu.memref_squeeze %dma_start3A_176 : memref<1x128x64xf32, #tpu.memory_space<vmem>> -> memref<128x64xf32, #tpu.memory_space<vmem>>
        %dma_start3A_178 = arith.constant 0 : i32
        %dma_start3A_179 = tpu.memref_slice %arg6[%run_scoped3A_120, %run_scoped3A_121, %dma_start3A_178] : memref<2x2x128xi32, #tpu.memory_space<vmem>> -> memref<1x1x128xi32, #tpu.memory_space<vmem>>
        %dma_start3A_180 = tpu.memref_squeeze %dma_start3A_179 : memref<1x1x128xi32, #tpu.memory_space<vmem>> -> memref<128xi32, #tpu.memory_space<vmem>>
        %dma_start3A_181 = arith.constant 0 : i32
        %dma_start3A_182 = arith.constant 0 : i32
        %dma_start3A_183 = tpu.memref_slice %arg8[%dma_start3A_181, %dma_start3A_182] : memref<10000x64xf32, #tpu.memory_space<vmem_shared>> -> memref<10000x64xf32, #tpu.memory_space<vmem_shared>>
        tpu.enqueue_indirect_dma source(%dma_start3A_177 : memref<128x64xf32, #tpu.memory_space<vmem>>) target(%dma_start3A_183 : memref<10000x64xf32, #tpu.memory_space<vmem_shared>>) offsets(%dma_start3A_180 : memref<128xi32, #tpu.memory_space<vmem>>) semaphore(%run_scoped3A_173 : memref<!tpu.dma_semaphore, #tpu.memory_space<semaphore_mem>>) {add = true}
        %dma_wait3A_184 = arith.constant 128 : i32
        %dma_wait3A_185 = arith.constant 0 : i32
        %dma_wait3A_186 = tpu.memref_slice %arg5[%run_scoped3A_119, %dma_wait3A_184, %dma_wait3A_185] : memref<2x256x64xf32, #tpu.memory_space<vmem>> -> memref<1x128x64xf32, #tpu.memory_space<vmem>>
        %dma_wait3A_187 = tpu.memref_squeeze %dma_wait3A_186 : memref<1x128x64xf32, #tpu.memory_space<vmem>> -> memref<128x64xf32, #tpu.memory_space<vmem>>
        %dma_wait3A_188 = arith.constant 0 : i32
        %dma_wait3A_189 = tpu.memref_slice %arg6[%run_scoped3A_120, %run_scoped3A_121, %dma_wait3A_188] : memref<2x2x128xi32, #tpu.memory_space<vmem>> -> memref<1x1x128xi32, #tpu.memory_space<vmem>>
        %dma_wait3A_190 = tpu.memref_squeeze %dma_wait3A_189 : memref<1x1x128xi32, #tpu.memory_space<vmem>> -> memref<128xi32, #tpu.memory_space<vmem>>
        %dma_wait3A_191 = arith.constant 0 : i32
        %dma_wait3A_192 = arith.constant 0 : i32
        %dma_wait3A_193 = tpu.memref_slice %arg8[%dma_wait3A_191, %dma_wait3A_192] : memref<10000x64xf32, #tpu.memory_space<vmem_shared>> -> memref<10000x64xf32, #tpu.memory_space<vmem_shared>>
        tpu.wait_indirect_dma semaphore(%run_scoped3A_173 : memref<!tpu.dma_semaphore, #tpu.memory_space<semaphore_mem>>) src(%dma_wait3A_187 : memref<128x64xf32, #tpu.memory_space<vmem>>) dst(%dma_wait3A_193 : memref<10000x64xf32, #tpu.memory_space<vmem_shared>>)
        tpu.yield
      }) : () -> ()
      %add3A_122 = arith.constant 2 : i32
      %add3A_123 = arith.addi %add3A_87, %add3A_122 : i32
      %lt3A = arith.constant 78 : i32
      %lt3A_124 = arith.cmpi slt, %add3A_123, %lt3A : i32
      %convert_element_type3A_125 = arith.extui %lt3A_124 : i1 to i32
      %cond3A_126 = arith.constant 0 : i32
      %cond3A_127 = arith.cmpi ne, %convert_element_type3A_125, %cond3A_126 : i32
      scf.if %cond3A_127 {
        %add3A_173 = arith.addi %mul3A_10, %add3A_87 : i32
        %add3A_174 = arith.constant 2 : i32
        %add3A_175 = arith.addi %add3A_173, %add3A_174 : i32
        %mul3A_176 = arith.constant 256 : i32
        %mul3A_177 = arith.muli %add3A_175, %mul3A_176 : i32
        %dma_start3A_178 = arith.constant 0 : i32
        %dma_start3A_179 = arith.constant 0 : i32
        %dma_start3A_180 = arith.constant 0 : i32
        %dma_start3A_181 = tpu.memref_slice %arg5[%dma_start3A_178, %dma_start3A_179, %dma_start3A_180] : memref<2x256x64xf32, #tpu.memory_space<vmem>> -> memref<1x256x64xf32, #tpu.memory_space<vmem>>
        %dma_start3A_182 = tpu.memref_squeeze %dma_start3A_181 : memref<1x256x64xf32, #tpu.memory_space<vmem>> -> memref<256x64xf32, #tpu.memory_space<vmem>>
        %dma_start3A_183 = tpu.memref_slice %arg2[%mul3A_177, %mul3A_0] : memref<320000x128xf32, #tpu.memory_space<hbm>> -> memref<256x64xf32, #tpu.memory_space<hbm>>
        %dma_start3A_184 = arith.constant 0 : i32
        %dma_start3A_185 = arith.constant 0 : i32
        %dma_start3A_186 = tpu.memref_slice %arg5[%dma_start3A_178, %dma_start3A_184, %dma_start3A_185] : memref<2x256x64xf32, #tpu.memory_space<vmem>> -> memref<1x256x64xf32, #tpu.memory_space<vmem>>
        %dma_start3A_187 = tpu.memref_squeeze %dma_start3A_186 : memref<1x256x64xf32, #tpu.memory_space<vmem>> -> memref<256x64xf32, #tpu.memory_space<vmem>>
        %dma_start3A_188 = tpu.memref_slice %arg2[%mul3A_177, %mul3A_0] : memref<320000x128xf32, #tpu.memory_space<hbm>> -> memref<256x64xf32, #tpu.memory_space<hbm>>
        tpu.enqueue_dma source(%dma_start3A_188 : memref<256x64xf32, #tpu.memory_space<hbm>>) target(%dma_start3A_187 : memref<256x64xf32, #tpu.memory_space<vmem>>) target_semaphore(%arg9 : memref<!tpu.dma_semaphore, #tpu.memory_space<semaphore_mem>>)
        %mul3A_189 = arith.constant 2 : i32
        %mul3A_190 = arith.muli %add3A_175, %mul3A_189 : i32
        %dma_start3A_191 = arith.constant 0 : i32
        %dma_start3A_192 = arith.constant 0 : i32
        %dma_start3A_193 = arith.constant 0 : i32
        %dma_start3A_194 = tpu.memref_slice %arg6[%dma_start3A_191, %dma_start3A_192, %dma_start3A_193] : memref<2x2x128xi32, #tpu.memory_space<vmem>> -> memref<1x2x128xi32, #tpu.memory_space<vmem>>
        %dma_start3A_195 = tpu.memref_squeeze %dma_start3A_194 : memref<1x2x128xi32, #tpu.memory_space<vmem>> -> memref<2x128xi32, #tpu.memory_space<vmem>>
        %dma_start3A_196 = arith.constant 0 : i32
        %dma_start3A_197 = tpu.memref_slice %arg3[%mul3A_190, %dma_start3A_196] : memref<2500x128xi32, #tpu.memory_space<hbm>> -> memref<2x128xi32, #tpu.memory_space<hbm>>
        %dma_start3A_198 = arith.constant 0 : i32
        %dma_start3A_199 = arith.constant 0 : i32
        %dma_start3A_200 = tpu.memref_slice %arg6[%dma_start3A_191, %dma_start3A_198, %dma_start3A_199] : memref<2x2x128xi32, #tpu.memory_space<vmem>> -> memref<1x2x128xi32, #tpu.memory_space<vmem>>
        %dma_start3A_201 = tpu.memref_squeeze %dma_start3A_200 : memref<1x2x128xi32, #tpu.memory_space<vmem>> -> memref<2x128xi32, #tpu.memory_space<vmem>>
        %dma_start3A_202 = arith.constant 0 : i32
        %dma_start3A_203 = tpu.memref_slice %arg3[%mul3A_190, %dma_start3A_202] : memref<2500x128xi32, #tpu.memory_space<hbm>> -> memref<2x128xi32, #tpu.memory_space<hbm>>
        tpu.enqueue_dma source(%dma_start3A_203 : memref<2x128xi32, #tpu.memory_space<hbm>>) target(%dma_start3A_201 : memref<2x128xi32, #tpu.memory_space<vmem>>) target_semaphore(%arg9 : memref<!tpu.dma_semaphore, #tpu.memory_space<semaphore_mem>>)
      } else {
      }
      %add3A_128 = arith.constant 1 : i32
      %add3A_129 = arith.addi %add3A_85, %add3A_128 : i32
      %dma_wait3A_130 = arith.constant 1 : i32
      %dma_wait3A_131 = arith.constant 0 : i32
      %dma_wait3A_132 = arith.constant 0 : i32
      %dma_wait3A_133 = tpu.memref_slice %arg5[%dma_wait3A_130, %dma_wait3A_131, %dma_wait3A_132] : memref<2x256x64xf32, #tpu.memory_space<vmem>> -> memref<1x256x64xf32, #tpu.memory_space<vmem>>
      %dma_wait3A_134 = tpu.memref_squeeze %dma_wait3A_133 : memref<1x256x64xf32, #tpu.memory_space<vmem>> -> memref<256x64xf32, #tpu.memory_space<vmem>>
      %dma_wait3A_135 = arith.constant 0 : i32
      %dma_wait3A_136 = arith.constant 0 : i32
      %dma_wait3A_137 = tpu.memref_slice %arg2[%dma_wait3A_135, %dma_wait3A_136] : memref<320000x128xf32, #tpu.memory_space<hbm>> -> memref<256x64xf32, #tpu.memory_space<hbm>>
      %dma_wait3A_138 = arith.constant 0 : i32
      %dma_wait3A_139 = arith.constant 0 : i32
      %dma_wait3A_140 = tpu.memref_slice %arg5[%dma_wait3A_130, %dma_wait3A_138, %dma_wait3A_139] : memref<2x256x64xf32, #tpu.memory_space<vmem>> -> memref<1x256x64xf32, #tpu.memory_space<vmem>>
      %dma_wait3A_141 = tpu.memref_squeeze %dma_wait3A_140 : memref<1x256x64xf32, #tpu.memory_space<vmem>> -> memref<256x64xf32, #tpu.memory_space<vmem>>
      %dma_wait3A_142 = arith.constant 0 : i32
      %dma_wait3A_143 = arith.constant 0 : i32
      %dma_wait3A_144 = tpu.memref_slice %arg2[%dma_wait3A_142, %dma_wait3A_143] : memref<320000x128xf32, #tpu.memory_space<hbm>> -> memref<256x64xf32, #tpu.memory_space<hbm>>
      tpu.wait_dma2 semaphore(%arg10 : memref<!tpu.dma_semaphore, #tpu.memory_space<semaphore_mem>>) src(%dma_wait3A_144 : memref<256x64xf32, #tpu.memory_space<hbm>>) dst(%dma_wait3A_141 : memref<256x64xf32, #tpu.memory_space<vmem>>)
      %dma_wait3A_145 = arith.constant 1 : i32
      %dma_wait3A_146 = arith.constant 0 : i32
      %dma_wait3A_147 = arith.constant 0 : i32
      %dma_wait3A_148 = tpu.memref_slice %arg6[%dma_wait3A_145, %dma_wait3A_146, %dma_wait3A_147] : memref<2x2x128xi32, #tpu.memory_space<vmem>> -> memref<1x2x128xi32, #tpu.memory_space<vmem>>
      %dma_wait3A_149 = tpu.memref_squeeze %dma_wait3A_148 : memref<1x2x128xi32, #tpu.memory_space<vmem>> -> memref<2x128xi32, #tpu.memory_space<vmem>>
      %dma_wait3A_150 = arith.constant 0 : i32
      %dma_wait3A_151 = arith.constant 0 : i32
      %dma_wait3A_152 = tpu.memref_slice %arg3[%dma_wait3A_150, %dma_wait3A_151] : memref<2500x128xi32, #tpu.memory_space<hbm>> -> memref<2x128xi32, #tpu.memory_space<hbm>>
      %dma_wait3A_153 = arith.constant 0 : i32
      %dma_wait3A_154 = arith.constant 0 : i32
      %dma_wait3A_155 = tpu.memref_slice %arg6[%dma_wait3A_145, %dma_wait3A_153, %dma_wait3A_154] : memref<2x2x128xi32, #tpu.memory_space<vmem>> -> memref<1x2x128xi32, #tpu.memory_space<vmem>>
      %dma_wait3A_156 = tpu.memref_squeeze %dma_wait3A_155 : memref<1x2x128xi32, #tpu.memory_space<vmem>> -> memref<2x128xi32, #tpu.memory_space<vmem>>
      %dma_wait3A_157 = arith.constant 0 : i32
      %dma_wait3A_158 = arith.constant 0 : i32
      %dma_wait3A_159 = tpu.memref_slice %arg3[%dma_wait3A_157, %dma_wait3A_158] : memref<2500x128xi32, #tpu.memory_space<hbm>> -> memref<2x128xi32, #tpu.memory_space<hbm>>
      tpu.wait_dma2 semaphore(%arg10 : memref<!tpu.dma_semaphore, #tpu.memory_space<semaphore_mem>>) src(%dma_wait3A_159 : memref<2x128xi32, #tpu.memory_space<hbm>>) dst(%dma_wait3A_156 : memref<2x128xi32, #tpu.memory_space<vmem>>)
      %run_scoped3A_160 = arith.constant 1 : i32
      %run_scoped3A_161 = arith.constant 1 : i32
      %run_scoped3A_162 = arith.constant 0 : i32
      "tpu.region"() ({
        %run_scoped3A_173 = tpu.sem_alloc : memref<!tpu.dma_semaphore, #tpu.memory_space<semaphore_mem>>
        %dma_start3A_174 = arith.constant 0 : i32
        %dma_start3A_175 = arith.constant 0 : i32
        %dma_start3A_176 = tpu.memref_slice %arg5[%run_scoped3A_160, %dma_start3A_174, %dma_start3A_175] : memref<2x256x64xf32, #tpu.memory_space<vmem>> -> memref<1x128x64xf32, #tpu.memory_space<vmem>>
        %dma_start3A_177 = tpu.memref_squeeze %dma_start3A_176 : memref<1x128x64xf32, #tpu.memory_space<vmem>> -> memref<128x64xf32, #tpu.memory_space<vmem>>
        %dma_start3A_178 = arith.constant 0 : i32
        %dma_start3A_179 = tpu.memref_slice %arg6[%run_scoped3A_161, %run_scoped3A_162, %dma_start3A_178] : memref<2x2x128xi32, #tpu.memory_space<vmem>> -> memref<1x1x128xi32, #tpu.memory_space<vmem>>
        %dma_start3A_180 = tpu.memref_squeeze %dma_start3A_179 : memref<1x1x128xi32, #tpu.memory_space<vmem>> -> memref<128xi32, #tpu.memory_space<vmem>>
        %dma_start3A_181 = arith.constant 0 : i32
        %dma_start3A_182 = arith.constant 0 : i32
        %dma_start3A_183 = tpu.memref_slice %arg8[%dma_start3A_181, %dma_start3A_182] : memref<10000x64xf32, #tpu.memory_space<vmem_shared>> -> memref<10000x64xf32, #tpu.memory_space<vmem_shared>>
        tpu.enqueue_indirect_dma source(%dma_start3A_177 : memref<128x64xf32, #tpu.memory_space<vmem>>) target(%dma_start3A_183 : memref<10000x64xf32, #tpu.memory_space<vmem_shared>>) offsets(%dma_start3A_180 : memref<128xi32, #tpu.memory_space<vmem>>) semaphore(%run_scoped3A_173 : memref<!tpu.dma_semaphore, #tpu.memory_space<semaphore_mem>>) {add = true}
        %dma_wait3A_184 = arith.constant 0 : i32
        %dma_wait3A_185 = arith.constant 0 : i32
        %dma_wait3A_186 = tpu.memref_slice %arg5[%run_scoped3A_160, %dma_wait3A_184, %dma_wait3A_185] : memref<2x256x64xf32, #tpu.memory_space<vmem>> -> memref<1x128x64xf32, #tpu.memory_space<vmem>>
        %dma_wait3A_187 = tpu.memref_squeeze %dma_wait3A_186 : memref<1x128x64xf32, #tpu.memory_space<vmem>> -> memref<128x64xf32, #tpu.memory_space<vmem>>
        %dma_wait3A_188 = arith.constant 0 : i32
        %dma_wait3A_189 = tpu.memref_slice %arg6[%run_scoped3A_161, %run_scoped3A_162, %dma_wait3A_188] : memref<2x2x128xi32, #tpu.memory_space<vmem>> -> memref<1x1x128xi32, #tpu.memory_space<vmem>>
        %dma_wait3A_190 = tpu.memref_squeeze %dma_wait3A_189 : memref<1x1x128xi32, #tpu.memory_space<vmem>> -> memref<128xi32, #tpu.memory_space<vmem>>
        %dma_wait3A_191 = arith.constant 0 : i32
        %dma_wait3A_192 = arith.constant 0 : i32
        %dma_wait3A_193 = tpu.memref_slice %arg8[%dma_wait3A_191, %dma_wait3A_192] : memref<10000x64xf32, #tpu.memory_space<vmem_shared>> -> memref<10000x64xf32, #tpu.memory_space<vmem_shared>>
        tpu.wait_indirect_dma semaphore(%run_scoped3A_173 : memref<!tpu.dma_semaphore, #tpu.memory_space<semaphore_mem>>) src(%dma_wait3A_187 : memref<128x64xf32, #tpu.memory_space<vmem>>) dst(%dma_wait3A_193 : memref<10000x64xf32, #tpu.memory_space<vmem_shared>>)
        tpu.yield
      }) : () -> ()
      %run_scoped3A_163 = arith.constant 1 : i32
      %run_scoped3A_164 = arith.constant 1 : i32
      %run_scoped3A_165 = arith.constant 1 : i32
      "tpu.region"() ({
        %run_scoped3A_173 = tpu.sem_alloc : memref<!tpu.dma_semaphore, #tpu.memory_space<semaphore_mem>>
        %dma_start3A_174 = arith.constant 128 : i32
        %dma_start3A_175 = arith.constant 0 : i32
        %dma_start3A_176 = tpu.memref_slice %arg5[%run_scoped3A_163, %dma_start3A_174, %dma_start3A_175] : memref<2x256x64xf32, #tpu.memory_space<vmem>> -> memref<1x128x64xf32, #tpu.memory_space<vmem>>
        %dma_start3A_177 = tpu.memref_squeeze %dma_start3A_176 : memref<1x128x64xf32, #tpu.memory_space<vmem>> -> memref<128x64xf32, #tpu.memory_space<vmem>>
        %dma_start3A_178 = arith.constant 0 : i32
        %dma_start3A_179 = tpu.memref_slice %arg6[%run_scoped3A_164, %run_scoped3A_165, %dma_start3A_178] : memref<2x2x128xi32, #tpu.memory_space<vmem>> -> memref<1x1x128xi32, #tpu.memory_space<vmem>>
        %dma_start3A_180 = tpu.memref_squeeze %dma_start3A_179 : memref<1x1x128xi32, #tpu.memory_space<vmem>> -> memref<128xi32, #tpu.memory_space<vmem>>
        %dma_start3A_181 = arith.constant 0 : i32
        %dma_start3A_182 = arith.constant 0 : i32
        %dma_start3A_183 = tpu.memref_slice %arg8[%dma_start3A_181, %dma_start3A_182] : memref<10000x64xf32, #tpu.memory_space<vmem_shared>> -> memref<10000x64xf32, #tpu.memory_space<vmem_shared>>
        tpu.enqueue_indirect_dma source(%dma_start3A_177 : memref<128x64xf32, #tpu.memory_space<vmem>>) target(%dma_start3A_183 : memref<10000x64xf32, #tpu.memory_space<vmem_shared>>) offsets(%dma_start3A_180 : memref<128xi32, #tpu.memory_space<vmem>>) semaphore(%run_scoped3A_173 : memref<!tpu.dma_semaphore, #tpu.memory_space<semaphore_mem>>) {add = true}
        %dma_wait3A_184 = arith.constant 128 : i32
        %dma_wait3A_185 = arith.constant 0 : i32
        %dma_wait3A_186 = tpu.memref_slice %arg5[%run_scoped3A_163, %dma_wait3A_184, %dma_wait3A_185] : memref<2x256x64xf32, #tpu.memory_space<vmem>> -> memref<1x128x64xf32, #tpu.memory_space<vmem>>
        %dma_wait3A_187 = tpu.memref_squeeze %dma_wait3A_186 : memref<1x128x64xf32, #tpu.memory_space<vmem>> -> memref<128x64xf32, #tpu.memory_space<vmem>>
        %dma_wait3A_188 = arith.constant 0 : i32
        %dma_wait3A_189 = tpu.memref_slice %arg6[%run_scoped3A_164, %run_scoped3A_165, %dma_wait3A_188] : memref<2x2x128xi32, #tpu.memory_space<vmem>> -> memref<1x1x128xi32, #tpu.memory_space<vmem>>
        %dma_wait3A_190 = tpu.memref_squeeze %dma_wait3A_189 : memref<1x1x128xi32, #tpu.memory_space<vmem>> -> memref<128xi32, #tpu.memory_space<vmem>>
        %dma_wait3A_191 = arith.constant 0 : i32
        %dma_wait3A_192 = arith.constant 0 : i32
        %dma_wait3A_193 = tpu.memref_slice %arg8[%dma_wait3A_191, %dma_wait3A_192] : memref<10000x64xf32, #tpu.memory_space<vmem_shared>> -> memref<10000x64xf32, #tpu.memory_space<vmem_shared>>
        tpu.wait_indirect_dma semaphore(%run_scoped3A_173 : memref<!tpu.dma_semaphore, #tpu.memory_space<semaphore_mem>>) src(%dma_wait3A_187 : memref<128x64xf32, #tpu.memory_space<vmem>>) dst(%dma_wait3A_193 : memref<10000x64xf32, #tpu.memory_space<vmem_shared>>)
        tpu.yield
      }) : () -> ()
      %add3A_166 = arith.constant 2 : i32
      %add3A_167 = arith.addi %add3A_129, %add3A_166 : i32
      %lt3A_168 = arith.constant 78 : i32
      %lt3A_169 = arith.cmpi slt, %add3A_167, %lt3A_168 : i32
      %convert_element_type3A_170 = arith.extui %lt3A_169 : i1 to i32
      %cond3A_171 = arith.constant 0 : i32
      %cond3A_172 = arith.cmpi ne, %convert_element_type3A_170, %cond3A_171 : i32
      scf.if %cond3A_172 {
        %add3A_173 = arith.addi %mul3A_10, %add3A_129 : i32
        %add3A_174 = arith.constant 2 : i32
        %add3A_175 = arith.addi %add3A_173, %add3A_174 : i32
        %mul3A_176 = arith.constant 256 : i32
        %mul3A_177 = arith.muli %add3A_175, %mul3A_176 : i32
        %dma_start3A_178 = arith.constant 1 : i32
        %dma_start3A_179 = arith.constant 0 : i32
        %dma_start3A_180 = arith.constant 0 : i32
        %dma_start3A_181 = tpu.memref_slice %arg5[%dma_start3A_178, %dma_start3A_179, %dma_start3A_180] : memref<2x256x64xf32, #tpu.memory_space<vmem>> -> memref<1x256x64xf32, #tpu.memory_space<vmem>>
        %dma_start3A_182 = tpu.memref_squeeze %dma_start3A_181 : memref<1x256x64xf32, #tpu.memory_space<vmem>> -> memref<256x64xf32, #tpu.memory_space<vmem>>
        %dma_start3A_183 = tpu.memref_slice %arg2[%mul3A_177, %mul3A_0] : memref<320000x128xf32, #tpu.memory_space<hbm>> -> memref<256x64xf32, #tpu.memory_space<hbm>>
        %dma_start3A_184 = arith.constant 0 : i32
        %dma_start3A_185 = arith.constant 0 : i32
        %dma_start3A_186 = tpu.memref_slice %arg5[%dma_start3A_178, %dma_start3A_184, %dma_start3A_185] : memref<2x256x64xf32, #tpu.memory_space<vmem>> -> memref<1x256x64xf32, #tpu.memory_space<vmem>>
        %dma_start3A_187 = tpu.memref_squeeze %dma_start3A_186 : memref<1x256x64xf32, #tpu.memory_space<vmem>> -> memref<256x64xf32, #tpu.memory_space<vmem>>
        %dma_start3A_188 = tpu.memref_slice %arg2[%mul3A_177, %mul3A_0] : memref<320000x128xf32, #tpu.memory_space<hbm>> -> memref<256x64xf32, #tpu.memory_space<hbm>>
        tpu.enqueue_dma source(%dma_start3A_188 : memref<256x64xf32, #tpu.memory_space<hbm>>) target(%dma_start3A_187 : memref<256x64xf32, #tpu.memory_space<vmem>>) target_semaphore(%arg10 : memref<!tpu.dma_semaphore, #tpu.memory_space<semaphore_mem>>)
        %mul3A_189 = arith.constant 2 : i32
        %mul3A_190 = arith.muli %add3A_175, %mul3A_189 : i32
        %dma_start3A_191 = arith.constant 1 : i32
        %dma_start3A_192 = arith.constant 0 : i32
        %dma_start3A_193 = arith.constant 0 : i32
        %dma_start3A_194 = tpu.memref_slice %arg6[%dma_start3A_191, %dma_start3A_192, %dma_start3A_193] : memref<2x2x128xi32, #tpu.memory_space<vmem>> -> memref<1x2x128xi32, #tpu.memory_space<vmem>>
        %dma_start3A_195 = tpu.memref_squeeze %dma_start3A_194 : memref<1x2x128xi32, #tpu.memory_space<vmem>> -> memref<2x128xi32, #tpu.memory_space<vmem>>
        %dma_start3A_196 = arith.constant 0 : i32
        %dma_start3A_197 = tpu.memref_slice %arg3[%mul3A_190, %dma_start3A_196] : memref<2500x128xi32, #tpu.memory_space<hbm>> -> memref<2x128xi32, #tpu.memory_space<hbm>>
        %dma_start3A_198 = arith.constant 0 : i32
        %dma_start3A_199 = arith.constant 0 : i32
        %dma_start3A_200 = tpu.memref_slice %arg6[%dma_start3A_191, %dma_start3A_198, %dma_start3A_199] : memref<2x2x128xi32, #tpu.memory_space<vmem>> -> memref<1x2x128xi32, #tpu.memory_space<vmem>>
        %dma_start3A_201 = tpu.memref_squeeze %dma_start3A_200 : memref<1x2x128xi32, #tpu.memory_space<vmem>> -> memref<2x128xi32, #tpu.memory_space<vmem>>
        %dma_start3A_202 = arith.constant 0 : i32
        %dma_start3A_203 = tpu.memref_slice %arg3[%mul3A_190, %dma_start3A_202] : memref<2500x128xi32, #tpu.memory_space<hbm>> -> memref<2x128xi32, #tpu.memory_space<hbm>>
        tpu.enqueue_dma source(%dma_start3A_203 : memref<2x128xi32, #tpu.memory_space<hbm>>) target(%dma_start3A_201 : memref<2x128xi32, #tpu.memory_space<vmem>>) target_semaphore(%arg10 : memref<!tpu.dma_semaphore, #tpu.memory_space<semaphore_mem>>)
      } else {
      }
    }
    %scan3A_71 = arith.constant 39 : i32
    %ge3A = arith.constant 14 : i32
    %ge3A_72 = arith.cmpi sge, %arg1, %ge3A : i32
    %convert_element_type3A = arith.extui %ge3A_72 : i1 to i32
    %cond3A = arith.constant 0 : i32
    %cond3A_73 = arith.cmpi ne, %convert_element_type3A, %cond3A : i32
    scf.if %cond3A_73 {
      %add3A_81 = arith.constant 1234 : i32
      %add3A_82 = arith.addi %add3A_81, %arg1 : i32
      %mul3A_83 = arith.constant 256 : i32
      %mul3A_84 = arith.muli %add3A_82, %mul3A_83 : i32
      %dma_start3A_85 = arith.constant 0 : i32
      %dma_start3A_86 = arith.constant 0 : i32
      %dma_start3A_87 = arith.constant 0 : i32
      %dma_start3A_88 = tpu.memref_slice %arg5[%dma_start3A_85, %dma_start3A_86, %dma_start3A_87] : memref<2x256x64xf32, #tpu.memory_space<vmem>> -> memref<1x256x64xf32, #tpu.memory_space<vmem>>
      %dma_start3A_89 = tpu.memref_squeeze %dma_start3A_88 : memref<1x256x64xf32, #tpu.memory_space<vmem>> -> memref<256x64xf32, #tpu.memory_space<vmem>>
      %dma_start3A_90 = tpu.memref_slice %arg2[%mul3A_84, %mul3A_0] : memref<320000x128xf32, #tpu.memory_space<hbm>> -> memref<256x64xf32, #tpu.memory_space<hbm>>
      %dma_start3A_91 = arith.constant 0 : i32
      %dma_start3A_92 = arith.constant 0 : i32
      %dma_start3A_93 = tpu.memref_slice %arg5[%dma_start3A_85, %dma_start3A_91, %dma_start3A_92] : memref<2x256x64xf32, #tpu.memory_space<vmem>> -> memref<1x256x64xf32, #tpu.memory_space<vmem>>
      %dma_start3A_94 = tpu.memref_squeeze %dma_start3A_93 : memref<1x256x64xf32, #tpu.memory_space<vmem>> -> memref<256x64xf32, #tpu.memory_space<vmem>>
      %dma_start3A_95 = tpu.memref_slice %arg2[%mul3A_84, %mul3A_0] : memref<320000x128xf32, #tpu.memory_space<hbm>> -> memref<256x64xf32, #tpu.memory_space<hbm>>
      tpu.enqueue_dma source(%dma_start3A_95 : memref<256x64xf32, #tpu.memory_space<hbm>>) target(%dma_start3A_94 : memref<256x64xf32, #tpu.memory_space<vmem>>) target_semaphore(%arg9 : memref<!tpu.dma_semaphore, #tpu.memory_space<semaphore_mem>>)
      %mul3A_96 = arith.constant 2 : i32
      %mul3A_97 = arith.muli %add3A_82, %mul3A_96 : i32
      %dma_start3A_98 = arith.constant 0 : i32
      %dma_start3A_99 = arith.constant 0 : i32
      %dma_start3A_100 = arith.constant 0 : i32
      %dma_start3A_101 = tpu.memref_slice %arg6[%dma_start3A_98, %dma_start3A_99, %dma_start3A_100] : memref<2x2x128xi32, #tpu.memory_space<vmem>> -> memref<1x2x128xi32, #tpu.memory_space<vmem>>
      %dma_start3A_102 = tpu.memref_squeeze %dma_start3A_101 : memref<1x2x128xi32, #tpu.memory_space<vmem>> -> memref<2x128xi32, #tpu.memory_space<vmem>>
      %dma_start3A_103 = arith.constant 0 : i32
      %dma_start3A_104 = tpu.memref_slice %arg3[%mul3A_97, %dma_start3A_103] : memref<2500x128xi32, #tpu.memory_space<hbm>> -> memref<2x128xi32, #tpu.memory_space<hbm>>
      %dma_start3A_105 = arith.constant 0 : i32
      %dma_start3A_106 = arith.constant 0 : i32
      %dma_start3A_107 = tpu.memref_slice %arg6[%dma_start3A_98, %dma_start3A_105, %dma_start3A_106] : memref<2x2x128xi32, #tpu.memory_space<vmem>> -> memref<1x2x128xi32, #tpu.memory_space<vmem>>
      %dma_start3A_108 = tpu.memref_squeeze %dma_start3A_107 : memref<1x2x128xi32, #tpu.memory_space<vmem>> -> memref<2x128xi32, #tpu.memory_space<vmem>>
      %dma_start3A_109 = arith.constant 0 : i32
      %dma_start3A_110 = tpu.memref_slice %arg3[%mul3A_97, %dma_start3A_109] : memref<2500x128xi32, #tpu.memory_space<hbm>> -> memref<2x128xi32, #tpu.memory_space<hbm>>
      tpu.enqueue_dma source(%dma_start3A_110 : memref<2x128xi32, #tpu.memory_space<hbm>>) target(%dma_start3A_108 : memref<2x128xi32, #tpu.memory_space<vmem>>) target_semaphore(%arg9 : memref<!tpu.dma_semaphore, #tpu.memory_space<semaphore_mem>>)
      %dma_wait3A = arith.constant 0 : i32
      %dma_wait3A_111 = arith.constant 0 : i32
      %dma_wait3A_112 = arith.constant 0 : i32
      %dma_wait3A_113 = tpu.memref_slice %arg5[%dma_wait3A, %dma_wait3A_111, %dma_wait3A_112] : memref<2x256x64xf32, #tpu.memory_space<vmem>> -> memref<1x256x64xf32, #tpu.memory_space<vmem>>
      %dma_wait3A_114 = tpu.memref_squeeze %dma_wait3A_113 : memref<1x256x64xf32, #tpu.memory_space<vmem>> -> memref<256x64xf32, #tpu.memory_space<vmem>>
      %dma_wait3A_115 = arith.constant 0 : i32
      %dma_wait3A_116 = arith.constant 0 : i32
      %dma_wait3A_117 = tpu.memref_slice %arg2[%dma_wait3A_115, %dma_wait3A_116] : memref<320000x128xf32, #tpu.memory_space<hbm>> -> memref<256x64xf32, #tpu.memory_space<hbm>>
      %dma_wait3A_118 = arith.constant 0 : i32
      %dma_wait3A_119 = arith.constant 0 : i32
      %dma_wait3A_120 = tpu.memref_slice %arg5[%dma_wait3A, %dma_wait3A_118, %dma_wait3A_119] : memref<2x256x64xf32, #tpu.memory_space<vmem>> -> memref<1x256x64xf32, #tpu.memory_space<vmem>>
      %dma_wait3A_121 = tpu.memref_squeeze %dma_wait3A_120 : memref<1x256x64xf32, #tpu.memory_space<vmem>> -> memref<256x64xf32, #tpu.memory_space<vmem>>
      %dma_wait3A_122 = arith.constant 0 : i32
      %dma_wait3A_123 = arith.constant 0 : i32
      %dma_wait3A_124 = tpu.memref_slice %arg2[%dma_wait3A_122, %dma_wait3A_123] : memref<320000x128xf32, #tpu.memory_space<hbm>> -> memref<256x64xf32, #tpu.memory_space<hbm>>
      tpu.wait_dma2 semaphore(%arg9 : memref<!tpu.dma_semaphore, #tpu.memory_space<semaphore_mem>>) src(%dma_wait3A_124 : memref<256x64xf32, #tpu.memory_space<hbm>>) dst(%dma_wait3A_121 : memref<256x64xf32, #tpu.memory_space<vmem>>)
      %dma_wait3A_125 = arith.constant 0 : i32
      %dma_wait3A_126 = arith.constant 0 : i32
      %dma_wait3A_127 = arith.constant 0 : i32
      %dma_wait3A_128 = tpu.memref_slice %arg6[%dma_wait3A_125, %dma_wait3A_126, %dma_wait3A_127] : memref<2x2x128xi32, #tpu.memory_space<vmem>> -> memref<1x2x128xi32, #tpu.memory_space<vmem>>
      %dma_wait3A_129 = tpu.memref_squeeze %dma_wait3A_128 : memref<1x2x128xi32, #tpu.memory_space<vmem>> -> memref<2x128xi32, #tpu.memory_space<vmem>>
      %dma_wait3A_130 = arith.constant 0 : i32
      %dma_wait3A_131 = arith.constant 0 : i32
      %dma_wait3A_132 = tpu.memref_slice %arg3[%dma_wait3A_130, %dma_wait3A_131] : memref<2500x128xi32, #tpu.memory_space<hbm>> -> memref<2x128xi32, #tpu.memory_space<hbm>>
      %dma_wait3A_133 = arith.constant 0 : i32
      %dma_wait3A_134 = arith.constant 0 : i32
      %dma_wait3A_135 = tpu.memref_slice %arg6[%dma_wait3A_125, %dma_wait3A_133, %dma_wait3A_134] : memref<2x2x128xi32, #tpu.memory_space<vmem>> -> memref<1x2x128xi32, #tpu.memory_space<vmem>>
      %dma_wait3A_136 = tpu.memref_squeeze %dma_wait3A_135 : memref<1x2x128xi32, #tpu.memory_space<vmem>> -> memref<2x128xi32, #tpu.memory_space<vmem>>
      %dma_wait3A_137 = arith.constant 0 : i32
      %dma_wait3A_138 = arith.constant 0 : i32
      %dma_wait3A_139 = tpu.memref_slice %arg3[%dma_wait3A_137, %dma_wait3A_138] : memref<2500x128xi32, #tpu.memory_space<hbm>> -> memref<2x128xi32, #tpu.memory_space<hbm>>
      tpu.wait_dma2 semaphore(%arg9 : memref<!tpu.dma_semaphore, #tpu.memory_space<semaphore_mem>>) src(%dma_wait3A_139 : memref<2x128xi32, #tpu.memory_space<hbm>>) dst(%dma_wait3A_136 : memref<2x128xi32, #tpu.memory_space<vmem>>)
      %run_scoped3A = arith.constant 0 : i32
      %run_scoped3A_140 = arith.constant 0 : i32
      %run_scoped3A_141 = arith.constant 0 : i32
      "tpu.region"() ({
        %run_scoped3A_145 = tpu.sem_alloc : memref<!tpu.dma_semaphore, #tpu.memory_space<semaphore_mem>>
        %dma_start3A_146 = arith.constant 0 : i32
        %dma_start3A_147 = arith.constant 0 : i32
        %dma_start3A_148 = tpu.memref_slice %arg5[%run_scoped3A, %dma_start3A_146, %dma_start3A_147] : memref<2x256x64xf32, #tpu.memory_space<vmem>> -> memref<1x128x64xf32, #tpu.memory_space<vmem>>
        %dma_start3A_149 = tpu.memref_squeeze %dma_start3A_148 : memref<1x128x64xf32, #tpu.memory_space<vmem>> -> memref<128x64xf32, #tpu.memory_space<vmem>>
        %dma_start3A_150 = arith.constant 0 : i32
        %dma_start3A_151 = tpu.memref_slice %arg6[%run_scoped3A_140, %run_scoped3A_141, %dma_start3A_150] : memref<2x2x128xi32, #tpu.memory_space<vmem>> -> memref<1x1x128xi32, #tpu.memory_space<vmem>>
        %dma_start3A_152 = tpu.memref_squeeze %dma_start3A_151 : memref<1x1x128xi32, #tpu.memory_space<vmem>> -> memref<128xi32, #tpu.memory_space<vmem>>
        %dma_start3A_153 = arith.constant 0 : i32
        %dma_start3A_154 = arith.constant 0 : i32
        %dma_start3A_155 = tpu.memref_slice %arg8[%dma_start3A_153, %dma_start3A_154] : memref<10000x64xf32, #tpu.memory_space<vmem_shared>> -> memref<10000x64xf32, #tpu.memory_space<vmem_shared>>
        tpu.enqueue_indirect_dma source(%dma_start3A_149 : memref<128x64xf32, #tpu.memory_space<vmem>>) target(%dma_start3A_155 : memref<10000x64xf32, #tpu.memory_space<vmem_shared>>) offsets(%dma_start3A_152 : memref<128xi32, #tpu.memory_space<vmem>>) semaphore(%run_scoped3A_145 : memref<!tpu.dma_semaphore, #tpu.memory_space<semaphore_mem>>) {add = true}
        %dma_wait3A_156 = arith.constant 0 : i32
        %dma_wait3A_157 = arith.constant 0 : i32
        %dma_wait3A_158 = tpu.memref_slice %arg5[%run_scoped3A, %dma_wait3A_156, %dma_wait3A_157] : memref<2x256x64xf32, #tpu.memory_space<vmem>> -> memref<1x128x64xf32, #tpu.memory_space<vmem>>
        %dma_wait3A_159 = tpu.memref_squeeze %dma_wait3A_158 : memref<1x128x64xf32, #tpu.memory_space<vmem>> -> memref<128x64xf32, #tpu.memory_space<vmem>>
        %dma_wait3A_160 = arith.constant 0 : i32
        %dma_wait3A_161 = tpu.memref_slice %arg6[%run_scoped3A_140, %run_scoped3A_141, %dma_wait3A_160] : memref<2x2x128xi32, #tpu.memory_space<vmem>> -> memref<1x1x128xi32, #tpu.memory_space<vmem>>
        %dma_wait3A_162 = tpu.memref_squeeze %dma_wait3A_161 : memref<1x1x128xi32, #tpu.memory_space<vmem>> -> memref<128xi32, #tpu.memory_space<vmem>>
        %dma_wait3A_163 = arith.constant 0 : i32
        %dma_wait3A_164 = arith.constant 0 : i32
        %dma_wait3A_165 = tpu.memref_slice %arg8[%dma_wait3A_163, %dma_wait3A_164] : memref<10000x64xf32, #tpu.memory_space<vmem_shared>> -> memref<10000x64xf32, #tpu.memory_space<vmem_shared>>
        tpu.wait_indirect_dma semaphore(%run_scoped3A_145 : memref<!tpu.dma_semaphore, #tpu.memory_space<semaphore_mem>>) src(%dma_wait3A_159 : memref<128x64xf32, #tpu.memory_space<vmem>>) dst(%dma_wait3A_165 : memref<10000x64xf32, #tpu.memory_space<vmem_shared>>)
        tpu.yield
      }) : () -> ()
      %run_scoped3A_142 = arith.constant 0 : i32
      %run_scoped3A_143 = arith.constant 0 : i32
      %run_scoped3A_144 = arith.constant 1 : i32
      "tpu.region"() ({
        %run_scoped3A_145 = tpu.sem_alloc : memref<!tpu.dma_semaphore, #tpu.memory_space<semaphore_mem>>
        %dma_start3A_146 = arith.constant 128 : i32
        %dma_start3A_147 = arith.constant 0 : i32
        %dma_start3A_148 = tpu.memref_slice %arg5[%run_scoped3A_142, %dma_start3A_146, %dma_start3A_147] : memref<2x256x64xf32, #tpu.memory_space<vmem>> -> memref<1x128x64xf32, #tpu.memory_space<vmem>>
        %dma_start3A_149 = tpu.memref_squeeze %dma_start3A_148 : memref<1x128x64xf32, #tpu.memory_space<vmem>> -> memref<128x64xf32, #tpu.memory_space<vmem>>
        %dma_start3A_150 = arith.constant 0 : i32
        %dma_start3A_151 = tpu.memref_slice %arg6[%run_scoped3A_143, %run_scoped3A_144, %dma_start3A_150] : memref<2x2x128xi32, #tpu.memory_space<vmem>> -> memref<1x1x128xi32, #tpu.memory_space<vmem>>
        %dma_start3A_152 = tpu.memref_squeeze %dma_start3A_151 : memref<1x1x128xi32, #tpu.memory_space<vmem>> -> memref<128xi32, #tpu.memory_space<vmem>>
        %dma_start3A_153 = arith.constant 0 : i32
        %dma_start3A_154 = arith.constant 0 : i32
        %dma_start3A_155 = tpu.memref_slice %arg8[%dma_start3A_153, %dma_start3A_154] : memref<10000x64xf32, #tpu.memory_space<vmem_shared>> -> memref<10000x64xf32, #tpu.memory_space<vmem_shared>>
        tpu.enqueue_indirect_dma source(%dma_start3A_149 : memref<128x64xf32, #tpu.memory_space<vmem>>) target(%dma_start3A_155 : memref<10000x64xf32, #tpu.memory_space<vmem_shared>>) offsets(%dma_start3A_152 : memref<128xi32, #tpu.memory_space<vmem>>) semaphore(%run_scoped3A_145 : memref<!tpu.dma_semaphore, #tpu.memory_space<semaphore_mem>>) {add = true}
        %dma_wait3A_156 = arith.constant 128 : i32
        %dma_wait3A_157 = arith.constant 0 : i32
        %dma_wait3A_158 = tpu.memref_slice %arg5[%run_scoped3A_142, %dma_wait3A_156, %dma_wait3A_157] : memref<2x256x64xf32, #tpu.memory_space<vmem>> -> memref<1x128x64xf32, #tpu.memory_space<vmem>>
        %dma_wait3A_159 = tpu.memref_squeeze %dma_wait3A_158 : memref<1x128x64xf32, #tpu.memory_space<vmem>> -> memref<128x64xf32, #tpu.memory_space<vmem>>
        %dma_wait3A_160 = arith.constant 0 : i32
        %dma_wait3A_161 = tpu.memref_slice %arg6[%run_scoped3A_143, %run_scoped3A_144, %dma_wait3A_160] : memref<2x2x128xi32, #tpu.memory_space<vmem>> -> memref<1x1x128xi32, #tpu.memory_space<vmem>>
        %dma_wait3A_162 = tpu.memref_squeeze %dma_wait3A_161 : memref<1x1x128xi32, #tpu.memory_space<vmem>> -> memref<128xi32, #tpu.memory_space<vmem>>
        %dma_wait3A_163 = arith.constant 0 : i32
        %dma_wait3A_164 = arith.constant 0 : i32
        %dma_wait3A_165 = tpu.memref_slice %arg8[%dma_wait3A_163, %dma_wait3A_164] : memref<10000x64xf32, #tpu.memory_space<vmem_shared>> -> memref<10000x64xf32, #tpu.memory_space<vmem_shared>>
        tpu.wait_indirect_dma semaphore(%run_scoped3A_145 : memref<!tpu.dma_semaphore, #tpu.memory_space<semaphore_mem>>) src(%dma_wait3A_159 : memref<128x64xf32, #tpu.memory_space<vmem>>) dst(%dma_wait3A_165 : memref<10000x64xf32, #tpu.memory_space<vmem_shared>>)
        tpu.yield
      }) : () -> ()
    } else {
    }
    %barrier3A_74 = arith.constant 0 : index
    tpu.barrier barrier_id(%barrier3A_74)
    "tpu.region"() ({
      %run_scoped3A = tpu.sem_alloc : memref<!tpu.dma_semaphore, #tpu.memory_space<semaphore_mem>>
      %dma_start3A_81 = arith.constant 0 : i32
      %dma_start3A_82 = tpu.memref_slice %arg8[%mul3A_2, %dma_start3A_81] : memref<10000x64xf32, #tpu.memory_space<vmem_shared>> -> memref<625x64xf32, #tpu.memory_space<vmem_shared>>
      %dma_start3A_83 = arith.constant 0 : i32
      %dma_start3A_84 = tpu.memref_slice %arg8[%mul3A_2, %dma_start3A_83] : memref<10000x64xf32, #tpu.memory_space<vmem_shared>> -> memref<625x64xf32, #tpu.memory_space<vmem_shared>>
      tpu.enqueue_dma source(%dma_start3A_84 : memref<625x64xf32, #tpu.memory_space<vmem_shared>>) target(%arg7 : memref<625x64xf32, #tpu.memory_space<vmem>>) target_semaphore(%run_scoped3A : memref<!tpu.dma_semaphore, #tpu.memory_space<semaphore_mem>>)
      %dma_wait3A = arith.constant 0 : i32
      %dma_wait3A_85 = tpu.memref_slice %arg8[%mul3A_2, %dma_wait3A] : memref<10000x64xf32, #tpu.memory_space<vmem_shared>> -> memref<625x64xf32, #tpu.memory_space<vmem_shared>>
      %dma_wait3A_86 = arith.constant 0 : i32
      %dma_wait3A_87 = tpu.memref_slice %arg8[%mul3A_2, %dma_wait3A_86] : memref<10000x64xf32, #tpu.memory_space<vmem_shared>> -> memref<625x64xf32, #tpu.memory_space<vmem_shared>>
      tpu.wait_dma2 semaphore(%run_scoped3A : memref<!tpu.dma_semaphore, #tpu.memory_space<semaphore_mem>>) src(%dma_wait3A_87 : memref<625x64xf32, #tpu.memory_space<vmem_shared>>) dst(%arg7 : memref<625x64xf32, #tpu.memory_space<vmem>>)
      tpu.yield
    }) : () -> ()
    %scan3A_75 = arith.constant 0 : i32
    %scan3A_76 = arith.constant 0 : i32
    %scan3A_77 = arith.constant 625 : i32
    %scan3A_78 = arith.addi %scan3A_76, %scan3A_77 : i32
    %scan3A_79 = arith.constant 1 : i32
    scf.for %scan3A_81 = %scan3A_76 to %scan3A_78 step %scan3A_79  : i32 {
      %get3A = arith.index_cast %scan3A_81 : i32 to index
      %get3A_82 = arith.constant 0 : index
      %get3A_83 = tpu.vector_load %arg7[%get3A, %get3A_82] {strides = array<i32>} : memref<625x64xf32, #tpu.memory_space<vmem>>, vector<1x16xf32>,
      %get3A_84 = vector.shape_cast %get3A_83 : vector<1x16xf32> to vector<16xf32>
      %mul3A_85 = arith.constant 0.176776692 : f32
      %mul3A_86 = vector.broadcast %mul3A_85 : f32 to vector<16xf32>
      %mul3A_87 = arith.mulf %get3A_84, %mul3A_86 : vector<16xf32>
      %swap3A = arith.index_cast %scan3A_81 : i32 to index
      %swap3A_88 = arith.constant 0 : index
      %swap3A_89 = tpu.vector_load %arg7[%swap3A, %swap3A_88] {strides = array<i32>} : memref<625x64xf32, #tpu.memory_space<vmem>>, vector<1x16xf32>,
      %swap3A_90 = vector.shape_cast %swap3A_89 : vector<1x16xf32> to vector<16xf32>
      %swap3A_91 = vector.shape_cast %mul3A_87 : vector<16xf32> to vector<1x16xf32>
      tpu.vector_store %arg7[%swap3A, %swap3A_88], %swap3A_91 {strides = array<i32>} : memref<625x64xf32, #tpu.memory_space<vmem>>, vector<1x16xf32>,
      %get3A_92 = arith.index_cast %scan3A_81 : i32 to index
      %get3A_93 = arith.constant 16 : index
      %get3A_94 = tpu.vector_load %arg7[%get3A_92, %get3A_93] {strides = array<i32>} : memref<625x64xf32, #tpu.memory_space<vmem>>, vector<1x16xf32>,
      %get3A_95 = vector.shape_cast %get3A_94 : vector<1x16xf32> to vector<16xf32>
      %mul3A_96 = arith.constant 0.176776692 : f32
      %mul3A_97 = vector.broadcast %mul3A_96 : f32 to vector<16xf32>
      %mul3A_98 = arith.mulf %get3A_95, %mul3A_97 : vector<16xf32>
      %swap3A_99 = arith.index_cast %scan3A_81 : i32 to index
      %swap3A_100 = arith.constant 16 : index
      %swap3A_101 = tpu.vector_load %arg7[%swap3A_99, %swap3A_100] {strides = array<i32>} : memref<625x64xf32, #tpu.memory_space<vmem>>, vector<1x16xf32>,
      %swap3A_102 = vector.shape_cast %swap3A_101 : vector<1x16xf32> to vector<16xf32>
      %swap3A_103 = vector.shape_cast %mul3A_98 : vector<16xf32> to vector<1x16xf32>
      tpu.vector_store %arg7[%swap3A_99, %swap3A_100], %swap3A_103 {strides = array<i32>} : memref<625x64xf32, #tpu.memory_space<vmem>>, vector<1x16xf32>,
      %get3A_104 = arith.index_cast %scan3A_81 : i32 to index
      %get3A_105 = arith.constant 32 : index
      %get3A_106 = tpu.vector_load %arg7[%get3A_104, %get3A_105] {strides = array<i32>} : memref<625x64xf32, #tpu.memory_space<vmem>>, vector<1x16xf32>,
      %get3A_107 = vector.shape_cast %get3A_106 : vector<1x16xf32> to vector<16xf32>
      %mul3A_108 = arith.constant 0.176776692 : f32
      %mul3A_109 = vector.broadcast %mul3A_108 : f32 to vector<16xf32>
      %mul3A_110 = arith.mulf %get3A_107, %mul3A_109 : vector<16xf32>
      %swap3A_111 = arith.index_cast %scan3A_81 : i32 to index
      %swap3A_112 = arith.constant 32 : index
      %swap3A_113 = tpu.vector_load %arg7[%swap3A_111, %swap3A_112] {strides = array<i32>} : memref<625x64xf32, #tpu.memory_space<vmem>>, vector<1x16xf32>,
      %swap3A_114 = vector.shape_cast %swap3A_113 : vector<1x16xf32> to vector<16xf32>
      %swap3A_115 = vector.shape_cast %mul3A_110 : vector<16xf32> to vector<1x16xf32>
      tpu.vector_store %arg7[%swap3A_111, %swap3A_112], %swap3A_115 {strides = array<i32>} : memref<625x64xf32, #tpu.memory_space<vmem>>, vector<1x16xf32>,
      %get3A_116 = arith.index_cast %scan3A_81 : i32 to index
      %get3A_117 = arith.constant 48 : index
      %get3A_118 = tpu.vector_load %arg7[%get3A_116, %get3A_117] {strides = array<i32>} : memref<625x64xf32, #tpu.memory_space<vmem>>, vector<1x16xf32>,
      %get3A_119 = vector.shape_cast %get3A_118 : vector<1x16xf32> to vector<16xf32>
      %mul3A_120 = arith.constant 0.176776692 : f32
      %mul3A_121 = vector.broadcast %mul3A_120 : f32 to vector<16xf32>
      %mul3A_122 = arith.mulf %get3A_119, %mul3A_121 : vector<16xf32>
      %swap3A_123 = arith.index_cast %scan3A_81 : i32 to index
      %swap3A_124 = arith.constant 48 : index
      %swap3A_125 = tpu.vector_load %arg7[%swap3A_123, %swap3A_124] {strides = array<i32>} : memref<625x64xf32, #tpu.memory_space<vmem>>, vector<1x16xf32>,
      %swap3A_126 = vector.shape_cast %swap3A_125 : vector<1x16xf32> to vector<16xf32>
      %swap3A_127 = vector.shape_cast %mul3A_122 : vector<16xf32> to vector<1x16xf32>
      tpu.vector_store %arg7[%swap3A_123, %swap3A_124], %swap3A_127 {strides = array<i32>} : memref<625x64xf32, #tpu.memory_space<vmem>>, vector<1x16xf32>,
    }
    %scan3A_80 = arith.constant 625 : i32
    "tpu.region"() ({
      %run_scoped3A = tpu.sem_alloc : memref<!tpu.dma_semaphore, #tpu.memory_space<semaphore_mem>>
      %dma_start3A_81 = tpu.memref_slice %arg4[%mul3A_2, %mul3A_0] : memref<10000x128xf32, #tpu.memory_space<hbm>> -> memref<625x64xf32, #tpu.memory_space<hbm>>
      %dma_start3A_82 = tpu.memref_slice %arg4[%mul3A_2, %mul3A_0] : memref<10000x128xf32, #tpu.memory_space<hbm>> -> memref<625x64xf32, #tpu.memory_space<hbm>>
      tpu.enqueue_dma source(%arg7 : memref<625x64xf32, #tpu.memory_space<vmem>>) target(%dma_start3A_82 : memref<625x64xf32, #tpu.memory_space<hbm>>) target_semaphore(%run_scoped3A : memref<!tpu.dma_semaphore, #tpu.memory_space<semaphore_mem>>)
      %dma_wait3A = tpu.memref_slice %arg4[%mul3A_2, %mul3A_0] : memref<10000x128xf32, #tpu.memory_space<hbm>> -> memref<625x64xf32, #tpu.memory_space<hbm>>
      %dma_wait3A_83 = tpu.memref_slice %arg4[%mul3A_2, %mul3A_0] : memref<10000x128xf32, #tpu.memory_space<hbm>> -> memref<625x64xf32, #tpu.memory_space<hbm>>
      tpu.wait_dma2 semaphore(%run_scoped3A : memref<!tpu.dma_semaphore, #tpu.memory_space<semaphore_mem>>) src(%arg7 : memref<625x64xf32, #tpu.memory_space<vmem>>) dst(%dma_wait3A_83 : memref<625x64xf32, #tpu.memory_space<hbm>>)
      tpu.yield
    }) : () -> ()
    return
  }
}

</mosaic_0001>

<sc_bundles>
// kernel: _scatter_scaled.3.cloned.1.call-start
scs
__scs_entry_jumppad:
0x0: {  	(pc) =	sbr.rel $0x88, $3  }
0x1: {  	(tag) =	ssettag $0x0;
	lr =	simm.s32 $0x1  }
0x2: {  	[smem:$0x3F9F] =	sst lr;
	_ =	strace $0xD0000000  }
0x3: {  	_ = 	snop  }
0x4: {  	_ = 	snop  }
0x5: {  	_ = 	snop  }
0x6: {  	_ = 	snop  }
0x7: {  	_ = 	snop  }
__scs_overlays_trampoline_lowered:
0x8: {  	[smem:$0x3FAE] =	sst s0  }
0x9: {  	[smem:$0x3FAF] =	sst s1  }
0xa: {  	[smem:$0x3FB0] =	sst s2  }
0xb: {  	[smem:$0x3FB1] =	sst s3  }
0xc: {  	[smem:$0x3FB2] =	sst s4  }
0xd: {  	[smem:$0x3FB3] =	sst s5  }
0xe: {  	[smem:$0x3FB4] =	sst s6  }
0xf: {  	[smem:$0x3FB5] =	sst s7  }
0x10: {  	[smem:$0x3FB6] =	sst s8  }
0x11: {  	[smem:$0x3FB7] =	sst s9;
	s0 =	simm.s32 @!p0 $0x0  }
0x12: {  	s1 =	sld [smem:$0x3F9D];
	s0 =	simm.s32 @p0 $0x1  }
0x13: {  	[smem:$0x3FB8] =	sst s0;
	s0 =	simm.s32 @!p1 $0x0  }
0x14: {  	s2 =	sld [smem:$0x3F9C];
	s0 =	simm.s32 @p1 $0x1  }
0x15: {  	[smem:$0x3FB9] =	sst s0;
	s0 =	simm.s32 @!p2 $0x0  }
0x16: {  	s3 =	sld [smem:$0x3FDB];
	s0 =	simm.s32 @p2 $0x1  }
0x17: {  	s4 =	simm.s32 $0x1BF5;
	[smem:$0x3FBB] =	sst s0  }
0x18: {  	s0 =	sld [smem:$0x3F9E];
	_ =	swait.ge [sflag:s4], $0x0  }
0x19: {  	s7 =	sld [smem:$0x3F9F]  }
0x1a: {  	s8 =	sadd.s32 $0xFFFFE003, lr  }
0x1b: {  	s9 =	sadd.s32 $0xFFFFFEF7, lr;
	s5 =	simm.s32 $0xFFFFFFFF;
	p2 =	slt.u32 s8, $0xFFFFF086  }
0x1c: {  	p1 =	slt.u32 s9, $0xF7A;
	s5 =	simm.s32 @!p2 $0x0  }
0x1d: {  	s5 =	simm.s32 @p1 $0x1;
	p0 =	seq.s32 s7, s2  }
0x1e: {  	s7 =	smul.u32 @!p0 $0xF7A, s2;
	p2 =	seq.s32 @!p0 s5, $0x0  }
0x1f: {  	s9 =	smul.u32 $0xF7A, s1;
	s8 =	simm.s32 @!p0 $0x1BF5;
	p2 =	por !p2, p0  }
0x20: {  	[sflag:s8] =	ssyncset.s32 @!p0 $0xFFFFF086;
	s6 =	sadd.s32 @!p0 s3, s7;
	s7 =	simm.s32 @!p0 $0x108  }
0x21: {  	s3 =	sadd.s32 s3, s9;
	s6 =	sadd.s32 @!p0 $0x88, s6;
	s7 =	simm.s32 @p2 $0x1082  }
0x22: {  	[simem:s7], [sflag:s8] =	dma.local @!p0 [hbm:s6], $0xF7A  }
0x23: {  	s9 =	sor.u32 $0xD0000000, s2;
	s6 =	simm.s32 $0x108;
	_ =	swait.ge @!p0 [sflag:s8], $0x0  }
0x24: {  	s3 =	sadd.s32 $0x88, s3;
	s6 =	simm.s32 @!p1 $0x1082;
	[sflag:s4] =	ssyncset.s32 $0xFFFFF086  }
0x25: {  	[simem:s6], [sflag:s4] =	dma.local [hbm:s3], $0xF7A  }
0x26: {  	[smem:$0x3F9F] =	sst s1;
	(tag) =	ssettag s2;
	_ =	strace s9  }
0x27: {  	s1 =	sld [smem:$0x3FAF]  }
0x28: {  	s2 =	sld [smem:$0x3FB0]  }
0x29: {  	s4 =	sld [smem:$0x3FB2]  }
0x2a: {  	p0 =	seq.s32 s5, $0x0;
	s5 =	sld [smem:$0x3FB3]  }
0x2b: {  	s6 =	sld [smem:$0x3FB4]  }
0x2c: {  	s7 =	sld [smem:$0x3FB5]  }
0x2d: {  	s3 =	simm.s32 $0x108;
	s8 =	sld [smem:$0x3FB6]  }
0x2e: {  	s3 =	simm.s32 @!p0 $0x1082;
	s9 =	sld [smem:$0x3FB7]  }
0x2f: {  	lr =	sadd.s32 s0, s3;
	s0 =	sld [smem:$0x3FAE]  }
0x30: {  	s3 =	sld [smem:$0x3FB1]  }
0x31: {  	[smem:$0x3FBA] =	sst s10  }
0x32: {  	s10 =	sld [smem:$0x3FB8];
	_ =	sdelay $0x3  }
0x33: {  	p0 =	seq.s32 s10, $0x1;
	s10 =	sld [smem:$0x3FBA];
	_ =	sdelay $0x3  }
0x34: {  	[smem:$0x3FBA] =	sst s10  }
0x35: {  	s10 =	sld [smem:$0x3FB9];
	_ =	sdelay $0x3  }
0x36: {  	p1 =	seq.s32 s10, $0x1;
	s10 =	sld [smem:$0x3FBA];
	_ =	sdelay $0x3  }
0x37: {  	[smem:$0x3FBA] =	sst s10  }
0x38: {  	s10 =	sld [smem:$0x3FBB]  }
0x39: {  	_ = 	snop;
	(pc) =	sbr.ind lr, $3  }
0x3a: {  	_ = 	snop  }
0x3b: {  	_ = 	snop  }
0x3c: {  	p2 =	seq.s32 s10, $0x1;
	s10 =	sld [smem:$0x3FBA]  }
0x3d: {  	_ =	shalt  }
0x3e: {  	_ =	shalt  }
0x3f: {  	_ =	shalt  }
0x40: {  	_ =	shalt  }
0x41: {  	_ =	shalt  }
0x42: {  	_ =	shalt  }
0x43: {  	_ =	shalt  }
0x44: {  	_ =	shalt  }
0x45: {  	_ =	shalt  }
0x46: {  	_ =	shalt  }
0x47: {  	_ =	shalt  }
0x48: {  	_ =	shalt  }
0x49: {  	_ =	shalt  }
0x4a: {  	_ =	shalt  }
0x4b: {  	_ =	shalt  }
0x4c: {  	_ =	shalt  }
0x4d: {  	_ =	shalt  }
0x4e: {  	_ =	shalt  }
0x4f: {  	_ =	shalt  }
0x50: {  	_ =	shalt  }
0x51: {  	_ =	shalt  }
0x52: {  	_ =	shalt  }
0x53: {  	_ =	shalt  }
0x54: {  	_ =	shalt  }
0x55: {  	_ =	shalt  }
0x56: {  	_ =	shalt  }
0x57: {  	_ =	shalt  }
0x58: {  	_ =	shalt  }
0x59: {  	_ =	shalt  }
0x5a: {  	_ =	shalt  }
0x5b: {  	_ =	shalt  }
0x5c: {  	_ =	shalt  }
0x5d: {  	_ =	shalt  }
0x5e: {  	_ =	shalt  }
0x5f: {  	_ =	shalt  }
0x60: {  	_ =	shalt  }
0x61: {  	_ =	shalt  }
0x62: {  	_ =	shalt  }
0x63: {  	_ =	shalt  }
0x64: {  	_ =	shalt  }
0x65: {  	_ =	shalt  }
0x66: {  	_ =	shalt  }
0x67: {  	_ =	shalt  }
0x68: {  	_ =	shalt  }
0x69: {  	_ =	shalt  }
0x6a: {  	_ =	shalt  }
0x6b: {  	_ =	shalt  }
0x6c: {  	_ =	shalt  }
0x6d: {  	_ =	shalt  }
0x6e: {  	_ =	shalt  }
0x6f: {  	_ =	shalt  }
0x70: {  	_ =	shalt  }
0x71: {  	_ =	shalt  }
0x72: {  	_ =	shalt  }
0x73: {  	_ =	shalt  }
0x74: {  	_ =	shalt  }
0x75: {  	_ =	shalt  }
0x76: {  	_ =	shalt  }
0x77: {  	_ =	shalt  }
0x78: {  	_ =	shalt  }
0x79: {  	_ =	shalt  }
0x7a: {  	_ =	shalt  }
0x7b: {  	_ =	shalt  }
0x7c: {  	_ =	shalt  }
0x7d: {  	_ =	shalt  }
0x7e: {  	_ =	shalt  }
0x7f: {  	_ =	shalt  }
0x80: {  	_ =	shalt  }
0x81: {  	_ =	shalt  }
0x82: {  	_ =	shalt  }
0x83: {  	_ =	shalt  }
0x84: {  	_ =	shalt  }
0x85: {  	_ =	shalt  }
0x86: {  	_ =	shalt  }
0x87: {  	_ =	shalt  }
.Lfunc_end0:
.L_simem_size_0:
called_computation_lowered:
.L_overlay_start_0:
0x88: {  	s2 =	sld [smem:$0x3FD9]  }
0x89: {  	s3 =	sld [smem:$0x3FFE];
	_ =	sdelay $0x1  }
0x8a: {  	s1 =	srdreg.scid  }
0x8b: {  	s0 =	sand.u32 $0x1, s1  }
0x8c: {  	s18 =	sshll.u32 s0, $0xA;
	s2 =	sadd.s32 s3, s2  }
0x8d: {  	s2 =	sadd.s32 s2, s18  }
0x8e: {  	[smem:$0x3FC6] =	sst s2  }
0x8f: {  	_ = 	snop  }
0x90: {  	s2 =	sld [smem:$0x3FC9]  }
0x91: {  	s19 =	sld [smem:$0x3FC8]  }
0x92: {  	s4 =	sld [smem:$0x3FD0];
	(tm) =	ssettm $0x1  }
0x93: {  	s5 =	sld [smem:$0x3FFB];
	_ =	sdelay $0x3  }
0x94: {  	_ =	strace s5  }
0x95: {  	s5 =	sld [smem:$0x3FFC];
	_ =	sdelay $0x3  }
0x96: {  	_ =	strace s5  }
0x97: {  	s5 =	sld [smem:$0x3FFD];
	_ =	sdelay $0x3  }
0x98: {  	_ =	strace s5  }
0x99: {  	_ =	strace $0x8FFFFFFF  }
0x9a: {  	s20 =	sld [smem:$0x3FDB];
	_ =	sdelay $0x1  }
0x9b: {  	s6 =	simm.s32 $_scs_section_size  }
0x9c: {  	s7 =	simm.s32 $_size__tile_overlayer_lowered;
	s8 =	simm.s32 $_tile_overlayer_lowered  }
0x9d: {  	s23 =	simm.s32 $0x1BFF;
	s22 =	sshll.u32 s8, $0x1;
	s5 =	sadd.s32 s6, s20  }
0x9e: {  	s9 =	simm.s32 $0x0;
	s21 =	sshll.u32 s7, $0x1;
	s7 =	sadd.s32 s22, s5  }
0x9f: {  	[timem:s9], [sflag:s23] =	dma.local [hbm:s7], s21  }
0xa0: {  	_ =	swait.ge [sflag:s23], s21  }
0xa1: {  	s6 =	ssub.s32 $0x0, s21;
	[sflag:s23] =	ssyncset.done $0x0  }
0xa2: {  	[sflag:s23] =	ssyncadd.s32 s6;
	_ =	sdelay $0x1  }
0xa3: {  	s24 =	simm.s32 $0x1B8B  }
0xa4: {  	_ =	swait.ge [sflag:s24], $0x1  }
0xa5: {  	[sflag:s24] =	ssyncset.done $0x0  }
0xa6: {  	s25 =	simm.s32 $0x1B8E;
	[sflag:s24] =	ssyncadd.s32 $0xFFFFFFFF  }
0xa7: {  	s26 =	simm.s32 $execute0_lowered;
	[smem:$0x3FD2] =	sst s25  }
0xa8: {  	s6 =	sshll.u32 s26, $0x1;
	_ =	strace $0x80000046;
	[dreg:$0x1] =	wrdreg $0xFFFFFFFF  }
0xa9: {  	s28 =	simm.s32 $_size_execute0_lowered;
	s5 =	sadd.s32 s5, s6;
	[dreg:$0x0] =	wrdreg $0x0  }
0xaa: {  	s6 =	sshll.u32 s28, $0x1;
	[dreg:$0x2] =	wrdreg s5  }
0xab: {  	[dreg:$0x3] =	wrdreg s6  }
0xac: {  	[dreg:$0x4] =	wrdreg $0xC0  }
0xad: {  	_ =	task [dreg:s9], $0x5FFFF  }
0xae: {  	[dreg:$0x1] =	wrdreg $0xFFFFFFFF  }
0xaf: {  	[dreg:$0x0] =	wrdreg $0x60  }
0xb0: {  	[dreg:$0x2] =	wrdreg s2  }
0xb1: {  	[dreg:$0x3] =	wrdreg s19  }
0xb2: {  	[dreg:$0x4] =	wrdreg s4  }
0xb3: {  	[dreg:$0x5] =	wrdreg $0x11E400  }
0xb4: {  	[dreg:$0x6] =	wrdreg $0x9  }
0xb5: {  	_ =	task.clear_ibuf [dreg:s9], $0x7FFFF;
	_ =	strace $0x90000046  }
0xb6: {  	s29 =	simm.s32 $0x9;
	_ =	strace $0x80000048  }
0xb7: {  	_ =	swait.ge [sflag:s29], $0x1  }
0xb8: {  	[sflag:s29] =	ssyncadd.s32 $0xFFFFFFFF  }
0xb9: {  	_ =	strace $0x90000048  }
0xba: {  	_ =	sfence  }
0xbb: {  	s30 =	sld [smem:$0x0];
	_ =	sdelay $0x2  }
0xbc: {  	s31 =	sshll.u32 s1, $0xD;
	s1 =	sshrl.u32 s1, $0x2  }
0xbd: {  	s3 =	sand.u32 $0x4000, s31;
	s1 =	sadd.s32 s1, s30  }
0xbe: {  	s0 =	sor.u32 s3, s0;
	s1 =	sshll.u32 s1, $0x11  }
0xbf: {  	s0 =	sor.u32 s1, s0  }
0xc0: {  	s0 =	sadd.s32 $0x8F2B, s0  }
0xc1: {  	[sflag:s0] =	ssyncadd.remote.s32 $0x1  }
0xc2: {  	_ =	sfence.sel $0xFFFF  }
0xc3: {  	[dreg:$0x0] =	wrdreg $0xFFFFFFFF;
	(pc) =	sbr.abs _section_cstart, $3  }
0xc4: {  	[dreg:$0x1] =	wrdreg $0xFFFFFFFF  }
0xc5: {  	_ =	task.clear_ibuf [dreg:s9], $0x2FFFF;
	_ =	strace $0x9FFFFFFF  }
0xc6: {  	(tm) =	ssettm $0x7FFFFFFF  }
0xc7: {  	_ =	shalt  }
tec
execute0_lowered:
.L_overlay_start_1:
0x0: {  	(tag) =	ssettag $0x1  }
0x1: {  	s1 =	rddreg [dreg:$0x0]  }
0x2: {  	s0 =	rddreg [dreg:$0x1]  }
0x3: {  	s2 =	rddreg [dreg:$0x2]  }
0x4: {  	s3 =	rddreg [dreg:$0x3];
	s26 =	stileid.u32  }
0x5: {  	s5 =	srdreg.scid;
	s6 =	smul.u32 $0x27100, s26  }
0x6: {  	s4 =	simm.s32 $0x0;
	s28 =	simm.s32 $0x2;
	s8 =	smul.u32 $0x4E, s26  }
0x7: {  	s29 =	simm.s32 $0x8180;
	s30 =	simm.s32 $0x6000;
	s10 =	smul.u32 $0x270000, s26  }
0x8: {  	s31 =	simm.s32 $0x0;
	s5 =	sand.u32 $0x1, s5;
	s17 =	smul.u32 $0x9C0, s26  }
0x9: {  	[smem:$0x7FF] =	sst s4;
	s13 =	sadd.s32 $0x4D2, s26;
	s14 =	smul.u32 $0x13880, s26  }
0xa: {  	p0 =	slt.u32 s26, $0xE;
	s26 =	simm.s32 $0x2000;
	s7 =	ssub.s32 $0x2, s5  }
0xb: {  	_ =	strace $0x80000047;
	s11 =	sshll.u32 s5, $0x6;
	s19 =	sshll.u32 s13, $0xF  }
0xc: {  	s21 =	sshll.u32 s13, $0x5;
	s9 =	sshrl.u32 s7, $0x1;
	s6 =	sshrl.u32 s6, $0x2  }
0xd: {  	s8 =	sor.u32 $0x1, s8;
	s22 =	sor.u32 s11, s14;
	s9 =	ssub.s32 s7, s9  }
0xe: {  	s5 =	sadd.s32 s6, s3;
	s6 =	sor.u32 s11, s10;
	s12 =	sshll.u32 s8, $0xF  }
0xf: {  	s8 =	sshll.u32 s8, $0x5;
	s23 =	sshrl.u32 s22, $0x3;
	s22 =	simm.s32 $0x4000  }
0x10: {  	s16 =	sshrl.u32 s6, $0x3;
	s12 =	sor.u32 s11, s12;
	s8 =	sadd.s32 s0, s8  }
0x11: {  	s24 =	sadd.s32 $0x18000, s6;
	s13 =	smax.u32 s9, $0x1;
	s7 =	sadd.s32 s1, s16  }
0x12: {  	s18 =	sshrl.u32 s12, $0x3;
	s12 =	sor.u32 s11, s19;
	[dreg:$0x7] =	wrdreg s8  }
0x13: {  	s11 =	sadd.s32 s0, s21;
	s25 =	sshrl.u32 s24, $0x3;
	s16 =	sadd.s32 $0x10000, s6  }
0x14: {  	s19 =	simm.s32 $0x40;
	s21 =	simm.s32 $0x8000;
	s24 =	simm.s32 $0x1  }
0x15: {  	[dreg:$0x5] =	wrdreg s7;
	s7 =	sadd.s32 s0, s17;
	s10 =	sadd.s32 s1, s18  }
0x16: {  	s20 =	sshrl.u32 s12, $0x3;
	s12 =	sadd.s32 s2, s23;
	s15 =	sadd.s32 s25, s1  }
0x17: {  	s17 =	simm.s32 $0x8200;
	s18 =	simm.s32 $0x3;
	s23 =	simm.s32 $0x8100  }
0x18: {  	s25 =	simm.s32 $0x8080;
	[dreg:$0x6] =	wrdreg s10;
	s8 =	sadd.s32 s1, s20  }
0x19: {  	v0 =	vimm.f32 $0.0e+00;
	s20 =	simm.s32 $0x80;
	[dreg:$0x8] =	wrdreg s8;
	s8 =	sadd.s32 $0x60, s7  }
.LBB2_1:
0x1a: {  	s2 =	simm.s32 $0x100;
	s0 =	simm.s32 $0x0  }
.LBB2_2:
0x1b: {  	p1 =	sne.s32 s2, $0x27000;
	[tilespmem:s0+$0x8230] =	vst v0;
	s6 =	smov.u32 s2;
	s2 =	sadd.s32 $0x100, s2  }
.Ltmp0:
0x1c: {  	[tilespmem:s0+$0x8220] =	vst v0;
	(pc) =	sbr.rel @p1 .LBB2_2-.Ltmp0, $3  }
0x1d: {  	[tilespmem:s0+$0x8200] =	vst v0  }
0x1e: {  	[tilespmem:s0+$0x8210] =	vst v0;
	_ =	sdelay $0x1  }
0x1f: {  	s0 =	sshra.s32 s6, $0x2  }
0x20: {  	[tilespmem:s0+$0x8230] =	vst v0  }
0x21: {  	[tilespmem:s0+$0x8220] =	vst v0  }
0x22: {  	[tilespmem:s0+$0x8200] =	vst v0  }
0x23: {  	[tilespmem:s0+$0x8210] =	vst v0  }
0x24: {  	[spmem:s5] =	stream.linear.scatter [tilespmem:s17], [sflag:$0x3], $0x9C40, $0x38;
	[tilespmem:$0x1BA80] =	vst v63  }
0x25: {  	_ =	swait.ge [sflag:s18], $0x9C40  }
0x26: {  	[sflag:s18] =	ssyncset.done $0x0  }
0x27: {  	[sflag:s18] =	ssyncadd.s32 $0xFFFF63C0  }
0x28: {  	[bflag:$0x0] =	sbarrier.arrive $0xFFFF  }
0x29: {  	s10 =	simm.s32 $0x0;
	s2 =	rddreg [dreg:$0x5]  }
0x2a: {  	[tilespmem:s10], [sflag:$0x1] =	stream.strided.gather [hbm4b:s2+s19], $0x4000, s20, s19, $0x38;
	[tilespmem:$0x1BA80] =	vst v63  }
0x2b: {  	_ = 	snop  }
0x2c: {  	[tilespmem:s21], [sflag:$0x1] =	stream.linear.gather [hbm4b:s7+s10], $0x100, $0x38;
	[tilespmem:$0x1BA80] =	vst v63  }
0x2d: {  	s14 =	rddreg [dreg:$0x6]  }
0x2e: {  	[tilespmem:s22], [sflag:$0x2] =	stream.strided.gather [hbm4b:s14+s19], $0x4000, s20, s19, $0x38;
	[tilespmem:$0x1BA80] =	vst v63  }
0x2f: {  	s6 =	rddreg [dreg:$0x7]  }
0x30: {  	[tilespmem:s23], [sflag:$0x2] =	stream.linear.gather [hbm4b:s6+s10], $0x100, $0x38;
	[tilespmem:$0x1BA80] =	vst v63  }
0x31: {  	_ =	swait.ge [sflag:s24], $0x4000  }
0x32: {  	[sflag:s24] =	ssyncset.done $0x0  }
0x33: {  	[sflag:s24] =	ssyncadd.s32 $0xFFFFC000  }
0x34: {  	_ =	swait.ge [sflag:s24], $0x100  }
0x35: {  	[sflag:s24] =	ssyncset.done $0x0  }
0x36: {  	[sflag:s24] =	ssyncadd.s32 $0xFFFFFF00  }
0x37: {  	[spmem:s3] =	stream.indirect.scatter.add.f32 [tilespmem:s4], [sflag:$0x3], $0x40, s21, s20, $0xb8;
	[tilespmem:$0x1BA80] =	vst v63  }
0x38: {  	_ =	swait.ge [sflag:s18], $0x2000  }
0x39: {  	[sflag:s18] =	ssyncset.done $0x0  }
0x3a: {  	[sflag:s18] =	ssyncadd.s32 $0xFFFFE000  }
0x3b: {  	[spmem:s3] =	stream.indirect.scatter.add.f32 [tilespmem:s26], [sflag:$0x3], $0x40, s25, s20, $0xb8;
	[tilespmem:$0x1BA80] =	vst v63  }
0x3c: {  	_ =	swait.ge [sflag:s18], $0x2000  }
0x3d: {  	s9 =	sshrl.u32 s16, $0x3;
	[sflag:s18] =	ssyncset.done $0x0  }
0x3e: {  	s0 =	sadd.s32 s1, s9;
	[sflag:s18] =	ssyncadd.s32 $0xFFFFE000  }
0x3f: {  	[tilespmem:s4], [sflag:$0x1] =	stream.strided.gather [hbm4b:s0+s19], $0x4000, s20, s19, $0x38;
	[tilespmem:$0x1BA80] =	vst v63  }
0x40: {  	s10 =	sadd.s32 $0xFFFFFFE0, s8  }
0x41: {  	[tilespmem:s21], [sflag:$0x1] =	stream.linear.gather [hbm4b:s10+s4], $0x100, $0x38;
	[tilespmem:$0x1BA80] =	vst v63  }
0x42: {  	_ =	swait.ge [sflag:s28], $0x4000  }
0x43: {  	[sflag:s28] =	ssyncset.done $0x0  }
0x44: {  	[sflag:s28] =	ssyncadd.s32 $0xFFFFC000  }
0x45: {  	_ =	swait.ge [sflag:s28], $0x100  }
0x46: {  	[sflag:s28] =	ssyncset.done $0x0  }
0x47: {  	[sflag:s28] =	ssyncadd.s32 $0xFFFFFF00  }
0x48: {  	[spmem:s3] =	stream.indirect.scatter.add.f32 [tilespmem:s22], [sflag:$0x3], $0x40, s23, s20, $0xb8;
	[tilespmem:$0x1BA80] =	vst v63  }
0x49: {  	_ =	swait.ge [sflag:s18], $0x2000  }
0x4a: {  	[sflag:s18] =	ssyncset.done $0x0  }
0x4b: {  	[sflag:s18] =	ssyncadd.s32 $0xFFFFE000  }
0x4c: {  	[spmem:s3] =	stream.indirect.scatter.add.f32 [tilespmem:s30], [sflag:$0x3], $0x40, s29, s20, $0xb8;
	[tilespmem:$0x1BA80] =	vst v63  }
0x4d: {  	_ =	swait.ge [sflag:s18], $0x2000  }
0x4e: {  	[sflag:s18] =	ssyncset.done $0x0  }
0x4f: {  	s2 =	sadd.s32 $0x40, s8;
	s14 =	sadd.s32 $0x0, s15;
	[sflag:s18] =	ssyncadd.s32 $0xFFFFE000  }
0x50: {  	[tilespmem:s22], [sflag:$0x2] =	stream.strided.gather [hbm4b:s14+s19], $0x4000, s20, s19, $0x38;
	[tilespmem:$0x1BA80] =	vst v63  }
0x51: {  	s6 =	sadd.s32 $0x10000, s16;
	s0 =	simm.s32 $0x2000;
	s14 =	smov.u32 s8  }
.LBB2_4:
0x52: {  	[tilespmem:s23], [sflag:$0x2] =	stream.linear.gather [hbm4b:s14+s4], $0x100, $0x38;
	[tilespmem:$0x1BA80] =	vst v63  }
0x53: {  	s9 =	smov.u32 s0;
	s14 =	smov.u32 s2  }
0x54: {  	p1 =	sne.s32 s0, $0x4A000;
	s0 =	sadd.s32 $0x2000, s0;
	_ =	swait.ge [sflag:s24], $0x4000  }
0x55: {  	[sflag:s24] =	ssyncset.done $0x0  }
0x56: {  	[sflag:s24] =	ssyncadd.s32 $0xFFFFC000  }
0x57: {  	_ =	swait.ge [sflag:s24], $0x100  }
0x58: {  	[sflag:s24] =	ssyncset.done $0x0  }
0x59: {  	[sflag:s24] =	ssyncadd.s32 $0xFFFFFF00  }
0x5a: {  	[spmem:s3] =	stream.indirect.scatter.add.f32 [tilespmem:s4], [sflag:$0x3], $0x40, s21, s20, $0xb8;
	[tilespmem:$0x1BA80] =	vst v63  }
0x5b: {  	_ =	swait.ge [sflag:s18], $0x2000  }
0x5c: {  	[sflag:s18] =	ssyncset.done $0x0  }
0x5d: {  	[sflag:s18] =	ssyncadd.s32 $0xFFFFE000  }
0x5e: {  	[spmem:s3] =	stream.indirect.scatter.add.f32 [tilespmem:s26], [sflag:$0x3], $0x40, s25, s20, $0xb8;
	[tilespmem:$0x1BA80] =	vst v63  }
0x5f: {  	_ =	swait.ge [sflag:s18], $0x2000  }
0x60: {  	s10 =	sshrl.u32 s6, $0x3;
	[sflag:s18] =	ssyncset.done $0x0  }
0x61: {  	s10 =	sadd.s32 s1, s10;
	[sflag:s18] =	ssyncadd.s32 $0xFFFFE000  }
0x62: {  	[tilespmem:s4], [sflag:$0x1] =	stream.strided.gather [hbm4b:s10+s19], $0x4000, s20, s19, $0x38;
	[tilespmem:$0x1BA80] =	vst v63  }
0x63: {  	s10 =	sadd.s32 $0xFFFFFFE0, s2  }
0x64: {  	[tilespmem:s21], [sflag:$0x1] =	stream.linear.gather [hbm4b:s10+s4], $0x100, $0x38;
	[tilespmem:$0x1BA80] =	vst v63  }
0x65: {  	_ =	swait.ge [sflag:s28], $0x4000  }
0x66: {  	[sflag:s28] =	ssyncset.done $0x0  }
0x67: {  	[sflag:s28] =	ssyncadd.s32 $0xFFFFC000  }
0x68: {  	_ =	swait.ge [sflag:s28], $0x100  }
0x69: {  	[sflag:s28] =	ssyncset.done $0x0  }
0x6a: {  	[sflag:s28] =	ssyncadd.s32 $0xFFFFFF00  }
0x6b: {  	[spmem:s3] =	stream.indirect.scatter.add.f32 [tilespmem:s22], [sflag:$0x3], $0x40, s23, s20, $0xb8;
	[tilespmem:$0x1BA80] =	vst v63  }
0x6c: {  	_ =	swait.ge [sflag:s18], $0x2000  }
0x6d: {  	[sflag:s18] =	ssyncset.done $0x0  }
0x6e: {  	[sflag:s18] =	ssyncadd.s32 $0xFFFFE000  }
0x6f: {  	[spmem:s3] =	stream.indirect.scatter.add.f32 [tilespmem:s30], [sflag:$0x3], $0x40, s29, s20, $0xb8;
	[tilespmem:$0x1BA80] =	vst v63  }
.Ltmp1:
0x70: {  	_ =	swait.ge [sflag:s18], $0x2000;
	(pc) =	sbr.rel @p1 .LBB2_4-.Ltmp1, $4  }
0x71: {  	[sflag:s18] =	ssyncset.done $0x0  }
0x72: {  	s9 =	sadd.s32 s9, s15;
	[sflag:s18] =	ssyncadd.s32 $0xFFFFE000  }
0x73: {  	[tilespmem:s22], [sflag:$0x2] =	stream.strided.gather [hbm4b:s9+s19], $0x4000, s20, s19, $0x38;
	[tilespmem:$0x1BA80] =	vst v63  }
0x74: {  	s6 =	sadd.s32 $0x10000, s6;
	s2 =	sadd.s32 $0x40, s2  }
0x75: {  	[tilespmem:s23], [sflag:$0x2] =	stream.linear.gather [hbm4b:s14+s4], $0x100, $0x38;
	[tilespmem:$0x1BA80] =	vst v63  }
0x76: {  	_ =	swait.ge [sflag:s24], $0x4000  }
0x77: {  	[sflag:s24] =	ssyncset.done $0x0  }
0x78: {  	[sflag:s24] =	ssyncadd.s32 $0xFFFFC000  }
0x79: {  	_ =	swait.ge [sflag:s24], $0x100  }
0x7a: {  	[sflag:s24] =	ssyncset.done $0x0  }
0x7b: {  	[sflag:s24] =	ssyncadd.s32 $0xFFFFFF00  }
0x7c: {  	[spmem:s3] =	stream.indirect.scatter.add.f32 [tilespmem:s4], [sflag:$0x3], $0x40, s21, s20, $0xb8;
	[tilespmem:$0x1BA80] =	vst v63  }
0x7d: {  	_ =	swait.ge [sflag:s18], $0x2000  }
0x7e: {  	[sflag:s18] =	ssyncset.done $0x0  }
0x7f: {  	[sflag:s18] =	ssyncadd.s32 $0xFFFFE000  }
0x80: {  	[spmem:s3] =	stream.indirect.scatter.add.f32 [tilespmem:s26], [sflag:$0x3], $0x40, s25, s20, $0xb8;
	[tilespmem:$0x1BA80] =	vst v63  }
0x81: {  	_ =	swait.ge [sflag:s18], $0x2000  }
0x82: {  	[sflag:s18] =	ssyncset.done $0x0  }
0x83: {  	[sflag:s18] =	ssyncadd.s32 $0xFFFFE000  }
0x84: {  	_ =	swait.ge [sflag:s28], $0x4000  }
0x85: {  	[sflag:s28] =	ssyncset.done $0x0  }
0x86: {  	[sflag:s28] =	ssyncadd.s32 $0xFFFFC000  }
0x87: {  	_ =	swait.ge [sflag:s28], $0x100  }
0x88: {  	[sflag:s28] =	ssyncset.done $0x0  }
0x89: {  	[sflag:s28] =	ssyncadd.s32 $0xFFFFFF00  }
0x8a: {  	[spmem:s3] =	stream.indirect.scatter.add.f32 [tilespmem:s22], [sflag:$0x3], $0x40, s23, s20, $0xb8;
	[tilespmem:$0x1BA80] =	vst v63  }
0x8b: {  	_ =	swait.ge [sflag:s18], $0x2000  }
0x8c: {  	[sflag:s18] =	ssyncset.done $0x0  }
0x8d: {  	[sflag:s18] =	ssyncadd.s32 $0xFFFFE000  }
0x8e: {  	[spmem:s3] =	stream.indirect.scatter.add.f32 [tilespmem:s30], [sflag:$0x3], $0x40, s29, s20, $0xb8;
	[tilespmem:$0x1BA80] =	vst v63  }
0x8f: {  	_ =	swait.ge [sflag:s18], $0x2000  }
0x90: {  	s0 =	simm.s32 @!p0 $0x40;
	s2 =	simm.s32 @!p0 $0x80;
	[sflag:s18] =	ssyncset.done $0x0  }
0x91: {  	s6 =	simm.s32 @!p0 $0x0;
	s9 =	rddreg [dreg:$0x8];
	[sflag:s18] =	ssyncadd.s32 $0xFFFFE000  }
0x92: {  	[tilespmem:s6], [sflag:$0x1] =	stream.strided.gather @!p0 [hbm4b:s9+s0], $0x4000, s2, s0, $0x38;
	[tilespmem:$0x1BA80] =	vst v63  }
0x93: {  	s0 =	simm.s32 @!p0 $0x8000;
	s9 =	simm.s32 @!p0 $0x1  }
0x94: {  	[tilespmem:s0], [sflag:$0x1] =	stream.linear.gather @!p0 [hbm4b:s11+s6], $0x100, $0x38;
	[tilespmem:$0x1BA80] =	vst v63  }
0x95: {  	_ =	swait.ge @!p0 [sflag:s9], $0x4000  }
0x96: {  	[sflag:s9] =	ssyncset.done @!p0 $0x0  }
0x97: {  	[sflag:s9] =	ssyncadd.s32 @!p0 $0xFFFFC000  }
0x98: {  	_ =	swait.ge @!p0 [sflag:s9], $0x100  }
0x99: {  	[sflag:s9] =	ssyncset.done @!p0 $0x0  }
0x9a: {  	[sflag:s9] =	ssyncadd.s32 @!p0 $0xFFFFFF00  }
0x9b: {  	[spmem:s3] =	stream.indirect.scatter.add.f32 @!p0 [tilespmem:s6], [sflag:$0x3], $0x40, s0, s2, $0xb8;
	[tilespmem:$0x1BA80] =	vst v63  }
0x9c: {  	s0 =	simm.s32 @!p0 $0x3  }
0x9d: {  	_ =	swait.ge @!p0 [sflag:s0], $0x2000  }
0x9e: {  	[sflag:s0] =	ssyncset.done @!p0 $0x0  }
0x9f: {  	s9 =	simm.s32 @!p0 $0x2000;
	s6 =	simm.s32 @!p0 $0x8080;
	[sflag:s0] =	ssyncadd.s32 @!p0 $0xFFFFE000  }
0xa0: {  	[spmem:s3] =	stream.indirect.scatter.add.f32 @!p0 [tilespmem:s9], [sflag:$0x3], $0x40, s6, s2, $0xb8;
	[tilespmem:$0x1BA80] =	vst v63  }
0xa1: {  	_ =	swait.ge @!p0 [sflag:s0], $0x2000  }
0xa2: {  	[sflag:s0] =	ssyncset.done @!p0 $0x0  }
0xa3: {  	[sflag:s0] =	ssyncadd.s32 @!p0 $0xFFFFE000  }
0xa4: {  	[bflag:$0x0] =	sbarrier.arrive $0xFFFF  }
0xa5: {  	[tilespmem:s17], [sflag:$0x3] =	stream.linear.gather [spmem:s5], $0x9C40, $0x38;
	[tilespmem:$0x1BA80] =	vst v63  }
0xa6: {  	_ =	swait.ge [sflag:s18], $0x9C40  }
0xa7: {  	[sflag:s18] =	ssyncset.done $0x0  }
0xa8: {  	s0 =	simm.s32 $0x0;
	[sflag:s18] =	ssyncadd.s32 $0xFFFF63C0  }
0xa9: {  	v1 =	vld [tilespmem:s0+$0x8200]  }
0xaa: {  	v3 =	vld [tilespmem:s0+$0x8210]  }
0xab: {  	s2 =	simm.s32 $0x100;
	v2 =	vld [tilespmem:s0+$0x8220]  }
.LBB2_6:
0xac: {  	p1 =	sne.s32 s2, $0x27000;
	v4 =	vld [tilespmem:s0+$0x8230];
	_ =	sdelay $0x1  }
0xad: {  	v1 =	vmul.f32 $1.767766920e-01, v1  }
.Ltmp2:
0xae: {  	v3 =	vmul.f32 $1.767766920e-01, v3;
	(pc) =	sbr.rel @p1 .LBB2_6-.Ltmp2, $4  }
0xaf: {  	s6 =	sshra.s32 s2, $0x2;
	[tilespmem:s0+$0x8200] =	vst v1;
	v2 =	vmul.f32 $1.767766920e-01, v2  }
0xb0: {  	v1 =	vld [tilespmem:s6+$0x8200];
	[tilespmem:s0+$0x8210] =	vst v3;
	v4 =	vmul.f32 $1.767766920e-01, v4  }
0xb1: {  	v3 =	vld [tilespmem:s6+$0x8210];
	[tilespmem:s0+$0x8220] =	vst v2  }
0xb2: {  	s2 =	sadd.s32 $0x100, s2;
	v2 =	vld [tilespmem:s6+$0x8220];
	[tilespmem:s0+$0x8230] =	vst v4;
	s0 =	smov.u32 s6  }
0xb3: {  	v4 =	vld [tilespmem:s0+$0x8230];
	_ =	sdelay $0x1  }
0xb4: {  	v1 =	vmul.f32 $1.767766920e-01, v1  }
0xb5: {  	v3 =	vmul.f32 $1.767766920e-01, v3  }
0xb6: {  	[tilespmem:s0+$0x8200] =	vst v1;
	v1 =	vmul.f32 $1.767766920e-01, v2  }
0xb7: {  	s31 =	sadd.s32 $0x1, s31;
	[tilespmem:s0+$0x8210] =	vst v3;
	v2 =	vmul.f32 $1.767766920e-01, v4  }
0xb8: {  	p1 =	sne.s32 s31, s13;
	[tilespmem:s0+$0x8220] =	vst v1  }
.Ltmp3:
0xb9: {  	[tilespmem:s0+$0x8230] =	vst v2;
	(pc) =	sbr.rel @p1 .LBB2_1-.Ltmp3, $4  }
0xba: {  	[hbm4b:s12+s19] =	stream.strided.scatter [tilespmem:s17], [sflag:$0x3], $0x9C40, s20, s19, $0x38;
	[tilespmem:$0x1BA80] =	vst v63  }
0xbb: {  	_ =	swait.ge [sflag:s18], $0x9C40  }
0xbc: {  	[sflag:s18] =	ssyncset.done $0x0  }
0xbd: {  	[sflag:s18] =	ssyncadd.s32 $0xFFFF63C0  }
0xbe: {  	_ =	sfence.sel $0x180000  }
0xbf: {  	[bflag:$0x0] =	sbarrier.arrive $0xFFFF  }
0xc0: {  	_ =	strace $0x90000047  }
0xc1: {  	s0 =	stileid.u32;
	[bflag:$0x2] =	sbarrier.arrive $0xFFFF  }
0xc2: {  	p0 =	sne.s32 s0, $0x0;
	s0 =	rddreg [dreg:$0x4]  }
0xc3: {  	s0 =	sadd.s32 @!p0 $0x100000, s0  }
0xc4: {  	[sflag:s0] =	ssyncadd.tile.s32 @!p0 $0x1;
	_ =	shalt  }
.Lfunc_end2:
_tile_overlayer_lowered:
.L_overlay_start_2:
0xc5: {  	(tag) =	ssettag $0x2  }
0xc6: {  	s0 =	rddreg [dreg:$0x0];
	s2 =	stileid.u32  }
0xc7: {  	s1 =	rddreg [dreg:$0x1];
	p0 =	sne.s32 s2, $0x0  }
0xc8: {  	s3 =	rddreg [dreg:$0x2];
	[bflag:$0x3] =	sbarrier.arrive $0xFFFF;
	s2 =	simm.s32 @!p0 $0x1C03  }
0xc9: {  	[timem:s3], [sflag:s2] =	dma.local @!p0 [hbm:s0], s1  }
0xca: {  	s0 =	simm.s32 @!p0 $0x3  }
0xcb: {  	_ =	swait.ge @!p0 [sflag:s0], s1  }
0xcc: {  	s1 =	ssub.s32 @!p0 $0x0, s1;
	[sflag:s0] =	ssyncset.done @!p0 $0x0  }
0xcd: {  	[sflag:s0] =	ssyncadd.s32 @!p0 s1  }
0xce: {  	[bflag:$0x3] =	sbarrier.arrive $0xFFFF  }
0xcf: {  	_ =	shalt  }

</sc_bundles>
